<compile_context>
chip_gen: v7x
topology: tpu7x:2x2x1
jax: 0.10.2.dev20260603
libtpu: 0.0.44.dev20260713+nightly
codegen_flags: <defaults>
</compile_context>

<pallas_src>
import functools

import jax
import jax.numpy as jnp
from jax import lax
from jax.experimental import pallas as pl
from jax.experimental.pallas import tpu as pltpu
from jax.experimental.pallas import tpu_sc as plsc

_INFO = plsc.get_sparse_core_info()
_NC = _INFO.num_cores
_NS = _INFO.num_subcores
_NW = _NC * _NS
_NBUF = 8
_LANES = 128


@functools.lru_cache(maxsize=None)
def _make_embed(B, V, D):
    KC = B // _NW
    mesh = plsc.VectorSubcoreMesh(core_axis_name="c", subcore_axis_name="s")

    @functools.partial(
        pl.kernel,
        mesh=mesh,
        out_type=jax.ShapeDtypeStruct((D, B), jnp.float32),
        scratch_types=[
            pltpu.VMEM((KC,), jnp.int32),
            pltpu.VMEM((_NBUF, D, _LANES), jnp.float32),
            pltpu.VMEM((D, KC), jnp.float32),
            [pltpu.SemaphoreType.DMA] * _NBUF,
        ],
        compiler_params=pltpu.CompilerParams(
            use_tc_tiling_on_sc=True, needs_layout_passes=False
        ),
    )
    def embed(idx_hbm, table_hbm, out_hbm, idx_v, blocks_v, cols_v, sems):
        wid = lax.axis_index("s") * _NC + lax.axis_index("c")
        base = wid * KC
        pltpu.sync_copy(idx_hbm.at[pl.ds(base, KC)], idx_v)
        iota16 = lax.iota(jnp.int32, 16)

        def splat(e):
            return plsc.load_gather(idx_v, [jnp.full((16,), e, jnp.int32)])

        def fetch(b, e):
            off = pl.multiple_of((splat(e) & -_LANES)[0], _LANES)
            pltpu.async_copy(
                table_hbm.at[:, pl.ds(off, _LANES)], blocks_v.at[b], sems[b]
            )

        def extract(b, e):
            lane_vec = splat(e) & (_LANES - 1)
            e_vec = jnp.full((16,), e, jnp.int32)
            for jj in range(D // 16):
                vals = plsc.load_gather(
                    blocks_v.at[b], [jj * 16 + iota16, lane_vec]
                )
                plsc.store_scatter(cols_v, [jj * 16 + iota16, e_vec], vals)

        for b in range(_NBUF):
            fetch(b, b)

        def body(g, carry):
            for b in range(_NBUF):
                e = g * _NBUF + b
                pltpu.make_async_copy(
                    table_hbm.at[:, pl.ds(0, _LANES)], blocks_v.at[b], sems[b]
                ).wait()
                extract(b, e)
                nxt = e + _NBUF

                @pl.when(nxt < KC)
                def _():
                    fetch(b, nxt)

            return carry

        lax.fori_loop(0, KC // _NBUF, body, 0)
        pltpu.sync_copy(cols_v, out_hbm.at[:, pl.ds(base, KC)])

    return embed


def kernel(x, weight):
    (B,) = x.shape
    V, D = weight.shape
    assert B % (_NW * _NBUF) == 0
    idx = x.astype(jnp.int32)
    out_t = _make_embed(B, V, D)(idx, weight.T)
    return out_t.T

# --- scband reference (transcript-rebuilt; emitter-appended) ---
"""Pipeline reference for scband-vocab-parallel-embedding-77309411328549 (READ-ONLY COPY).

The authoritative reference and input builder live on the scoring server;
editing this copy changes nothing except your own understanding.
"""

import jax, jax.numpy as jnp
import numpy as np

NUM_EMBEDDINGS = 1000000
EMBEDDING_DIM = 64
BATCH = 16384

def setup_inputs(seed: int = 0) -> dict:
    key = jax.random.key(seed)
    k_idx, k_w = jax.random.split(key)
    x = jax.random.randint(k_idx, (BATCH,), 0, NUM_EMBEDDINGS, dtype=jnp.int64 if jax.config.jax_enable_x64 else jnp.int32)
    weight = jax.random.normal(k_w, (NUM_EMBEDDINGS, EMBEDDING_DIM), dtype=jnp.float32) * 0.02
    return {"x": x, "weight": weight}

def reference(x, weight):
    # F.embedding(x, weight) -> gather rows of weight at indices x
    y = jnp.take(weight, x, axis=0)
    return y

if __name__ == "__main__":
    import jax
    _d = setup_inputs()
    print(jax.jit(kernel)(*tuple(_d.values())))

</pallas_src>

<mosaic_0001>
#map = affine_map<(d0, d1) -> (0)>
#map1 = affine_map<(d0, d1) -> (0, 0)>
module attributes {stable_mosaic.version = 14 : i64} {
  func.func @embed(%arg0: i32, %arg1: i32, %arg2: memref<16384xi32, #tpu.memory_space<hbm>>, %arg3: memref<64x1000000xf32, #tpu.memory_space<hbm>>, %arg4: memref<64x16384xf32, #tpu.memory_space<hbm>>, %arg5: memref<512xi32, #tpu.memory_space<vmem>>, %arg6: memref<8x64x128xf32, #tpu.memory_space<vmem>>, %arg7: memref<64x512xf32, #tpu.memory_space<vmem>>, %arg8: memref<!tpu.dma_semaphore, #tpu.memory_space<semaphore_mem>>, %arg9: memref<!tpu.dma_semaphore, #tpu.memory_space<semaphore_mem>>, %arg10: memref<!tpu.dma_semaphore, #tpu.memory_space<semaphore_mem>>, %arg11: memref<!tpu.dma_semaphore, #tpu.memory_space<semaphore_mem>>, %arg12: memref<!tpu.dma_semaphore, #tpu.memory_space<semaphore_mem>>, %arg13: memref<!tpu.dma_semaphore, #tpu.memory_space<semaphore_mem>>, %arg14: memref<!tpu.dma_semaphore, #tpu.memory_space<semaphore_mem>>, %arg15: memref<!tpu.dma_semaphore, #tpu.memory_space<semaphore_mem>>) attributes {dimension_semantics = [#tpu.dimension_semantics<core_parallel>, #tpu.dimension_semantics<subcore_parallel>], iteration_bounds = array<i64: 2, 16>, scalar_prefetch = 0 : i64, scratch_operands = 11 : i64, tpu.core_type = #tpu.core_type<sc_vector_subcore>, window_params = [{transform_indices = #map}, {transform_indices = #map1}, {transform_indices = #map1}]} {
    %mul3A = arith.constant 2 : i32
    %mul3A_0 = arith.muli %arg1, %mul3A : i32
    %add3A = arith.addi %mul3A_0, %arg0 : i32
    %mul3A_1 = arith.constant 512 : i32
    %mul3A_2 = arith.muli %add3A, %mul3A_1 : i32
    "tpu.region"() ({
      %run_scoped3A = tpu.sem_alloc : memref<!tpu.dma_semaphore, #tpu.memory_space<semaphore_mem>>
      %dma_start3A_177 = tpu.memref_slice %arg2[%mul3A_2] : memref<16384xi32, #tpu.memory_space<hbm>> -> memref<512xi32, #tpu.memory_space<hbm>>
      %dma_start3A_178 = tpu.memref_slice %arg2[%mul3A_2] : memref<16384xi32, #tpu.memory_space<hbm>> -> memref<512xi32, #tpu.memory_space<hbm>>
      tpu.enqueue_dma source(%dma_start3A_178 : memref<512xi32, #tpu.memory_space<hbm>>) target(%arg5 : memref<512xi32, #tpu.memory_space<vmem>>) target_semaphore(%run_scoped3A : memref<!tpu.dma_semaphore, #tpu.memory_space<semaphore_mem>>)
      %dma_wait3A = tpu.memref_slice %arg2[%mul3A_2] : memref<16384xi32, #tpu.memory_space<hbm>> -> memref<512xi32, #tpu.memory_space<hbm>>
      %dma_wait3A_179 = tpu.memref_slice %arg2[%mul3A_2] : memref<16384xi32, #tpu.memory_space<hbm>> -> memref<512xi32, #tpu.memory_space<hbm>>
      tpu.wait_dma2 semaphore(%run_scoped3A : memref<!tpu.dma_semaphore, #tpu.memory_space<semaphore_mem>>) src(%dma_wait3A_179 : memref<512xi32, #tpu.memory_space<hbm>>) dst(%arg5 : memref<512xi32, #tpu.memory_space<vmem>>)
      tpu.yield
    }) : () -> ()
    %iota3A = tpu.iota {dimensions = array<i32: 0>} : vector<16xi32>
    %broadcast_in_dim3A = arith.constant 0 : i32
    %broadcast_in_dim3A_3 = vector.broadcast %broadcast_in_dim3A : i32 to vector<16xi32>
    %gather3A = tpu.vector_load_idx %arg5[%broadcast_in_dim3A_3] : memref<512xi32, #tpu.memory_space<vmem>>[vector<16xi32>], vector<16xi32>,
    %and3A = arith.constant -128 : i32
    %and3A_4 = vector.broadcast %and3A : i32 to vector<16xi32>
    %and3A_5 = arith.andi %gather3A, %and3A_4 : vector<16xi32>
    %slice3A = vector.extract_strided_slice %and3A_5 {offsets = [0], sizes = [1], strides = [1]} : vector<16xi32> to vector<1xi32>
    %squeeze3A = vector.extract %slice3A[0] : i32 from vector<1xi32>
    %multiple_of3A = tpu.assume_multiple %squeeze3A, 128 : i32
    %dma_start3A = arith.constant 0 : i32
    %dma_start3A_6 = arith.constant 0 : i32
    %dma_start3A_7 = arith.constant 0 : i32
    %dma_start3A_8 = tpu.memref_slice %arg6[%dma_start3A, %dma_start3A_6, %dma_start3A_7] : memref<8x64x128xf32, #tpu.memory_space<vmem>> -> memref<1x64x128xf32, #tpu.memory_space<vmem>>
    %dma_start3A_9 = tpu.memref_squeeze %dma_start3A_8 : memref<1x64x128xf32, #tpu.memory_space<vmem>> -> memref<64x128xf32, #tpu.memory_space<vmem>>
    %dma_start3A_10 = arith.constant 0 : i32
    %dma_start3A_11 = tpu.memref_slice %arg3[%dma_start3A_10, %multiple_of3A] : memref<64x1000000xf32, #tpu.memory_space<hbm>> -> memref<64x128xf32, #tpu.memory_space<hbm>>
    %dma_start3A_12 = arith.constant 0 : i32
    %dma_start3A_13 = arith.constant 0 : i32
    %dma_start3A_14 = tpu.memref_slice %arg6[%dma_start3A, %dma_start3A_12, %dma_start3A_13] : memref<8x64x128xf32, #tpu.memory_space<vmem>> -> memref<1x64x128xf32, #tpu.memory_space<vmem>>
    %dma_start3A_15 = tpu.memref_squeeze %dma_start3A_14 : memref<1x64x128xf32, #tpu.memory_space<vmem>> -> memref<64x128xf32, #tpu.memory_space<vmem>>
    %dma_start3A_16 = arith.constant 0 : i32
    %dma_start3A_17 = tpu.memref_slice %arg3[%dma_start3A_16, %multiple_of3A] : memref<64x1000000xf32, #tpu.memory_space<hbm>> -> memref<64x128xf32, #tpu.memory_space<hbm>>
    tpu.enqueue_dma source(%dma_start3A_17 : memref<64x128xf32, #tpu.memory_space<hbm>>) target(%dma_start3A_15 : memref<64x128xf32, #tpu.memory_space<vmem>>) target_semaphore(%arg8 : memref<!tpu.dma_semaphore, #tpu.memory_space<semaphore_mem>>)
    %broadcast_in_dim3A_18 = arith.constant 1 : i32
    %broadcast_in_dim3A_19 = vector.broadcast %broadcast_in_dim3A_18 : i32 to vector<16xi32>
    %gather3A_20 = tpu.vector_load_idx %arg5[%broadcast_in_dim3A_19] : memref<512xi32, #tpu.memory_space<vmem>>[vector<16xi32>], vector<16xi32>,
    %and3A_21 = arith.constant -128 : i32
    %and3A_22 = vector.broadcast %and3A_21 : i32 to vector<16xi32>
    %and3A_23 = arith.andi %gather3A_20, %and3A_22 : vector<16xi32>
    %slice3A_24 = vector.extract_strided_slice %and3A_23 {offsets = [0], sizes = [1], strides = [1]} : vector<16xi32> to vector<1xi32>
    %squeeze3A_25 = vector.extract %slice3A_24[0] : i32 from vector<1xi32>
    %multiple_of3A_26 = tpu.assume_multiple %squeeze3A_25, 128 : i32
    %dma_start3A_27 = arith.constant 1 : i32
    %dma_start3A_28 = arith.constant 0 : i32
    %dma_start3A_29 = arith.constant 0 : i32
    %dma_start3A_30 = tpu.memref_slice %arg6[%dma_start3A_27, %dma_start3A_28, %dma_start3A_29] : memref<8x64x128xf32, #tpu.memory_space<vmem>> -> memref<1x64x128xf32, #tpu.memory_space<vmem>>
    %dma_start3A_31 = tpu.memref_squeeze %dma_start3A_30 : memref<1x64x128xf32, #tpu.memory_space<vmem>> -> memref<64x128xf32, #tpu.memory_space<vmem>>
    %dma_start3A_32 = arith.constant 0 : i32
    %dma_start3A_33 = tpu.memref_slice %arg3[%dma_start3A_32, %multiple_of3A_26] : memref<64x1000000xf32, #tpu.memory_space<hbm>> -> memref<64x128xf32, #tpu.memory_space<hbm>>
    %dma_start3A_34 = arith.constant 0 : i32
    %dma_start3A_35 = arith.constant 0 : i32
    %dma_start3A_36 = tpu.memref_slice %arg6[%dma_start3A_27, %dma_start3A_34, %dma_start3A_35] : memref<8x64x128xf32, #tpu.memory_space<vmem>> -> memref<1x64x128xf32, #tpu.memory_space<vmem>>
    %dma_start3A_37 = tpu.memref_squeeze %dma_start3A_36 : memref<1x64x128xf32, #tpu.memory_space<vmem>> -> memref<64x128xf32, #tpu.memory_space<vmem>>
    %dma_start3A_38 = arith.constant 0 : i32
    %dma_start3A_39 = tpu.memref_slice %arg3[%dma_start3A_38, %multiple_of3A_26] : memref<64x1000000xf32, #tpu.memory_space<hbm>> -> memref<64x128xf32, #tpu.memory_space<hbm>>
    tpu.enqueue_dma source(%dma_start3A_39 : memref<64x128xf32, #tpu.memory_space<hbm>>) target(%dma_start3A_37 : memref<64x128xf32, #tpu.memory_space<vmem>>) target_semaphore(%arg9 : memref<!tpu.dma_semaphore, #tpu.memory_space<semaphore_mem>>)
    %broadcast_in_dim3A_40 = arith.constant 2 : i32
    %broadcast_in_dim3A_41 = vector.broadcast %broadcast_in_dim3A_40 : i32 to vector<16xi32>
    %gather3A_42 = tpu.vector_load_idx %arg5[%broadcast_in_dim3A_41] : memref<512xi32, #tpu.memory_space<vmem>>[vector<16xi32>], vector<16xi32>,
    %and3A_43 = arith.constant -128 : i32
    %and3A_44 = vector.broadcast %and3A_43 : i32 to vector<16xi32>
    %and3A_45 = arith.andi %gather3A_42, %and3A_44 : vector<16xi32>
    %slice3A_46 = vector.extract_strided_slice %and3A_45 {offsets = [0], sizes = [1], strides = [1]} : vector<16xi32> to vector<1xi32>
    %squeeze3A_47 = vector.extract %slice3A_46[0] : i32 from vector<1xi32>
    %multiple_of3A_48 = tpu.assume_multiple %squeeze3A_47, 128 : i32
    %dma_start3A_49 = arith.constant 2 : i32
    %dma_start3A_50 = arith.constant 0 : i32
    %dma_start3A_51 = arith.constant 0 : i32
    %dma_start3A_52 = tpu.memref_slice %arg6[%dma_start3A_49, %dma_start3A_50, %dma_start3A_51] : memref<8x64x128xf32, #tpu.memory_space<vmem>> -> memref<1x64x128xf32, #tpu.memory_space<vmem>>
    %dma_start3A_53 = tpu.memref_squeeze %dma_start3A_52 : memref<1x64x128xf32, #tpu.memory_space<vmem>> -> memref<64x128xf32, #tpu.memory_space<vmem>>
    %dma_start3A_54 = arith.constant 0 : i32
    %dma_start3A_55 = tpu.memref_slice %arg3[%dma_start3A_54, %multiple_of3A_48] : memref<64x1000000xf32, #tpu.memory_space<hbm>> -> memref<64x128xf32, #tpu.memory_space<hbm>>
    %dma_start3A_56 = arith.constant 0 : i32
    %dma_start3A_57 = arith.constant 0 : i32
    %dma_start3A_58 = tpu.memref_slice %arg6[%dma_start3A_49, %dma_start3A_56, %dma_start3A_57] : memref<8x64x128xf32, #tpu.memory_space<vmem>> -> memref<1x64x128xf32, #tpu.memory_space<vmem>>
    %dma_start3A_59 = tpu.memref_squeeze %dma_start3A_58 : memref<1x64x128xf32, #tpu.memory_space<vmem>> -> memref<64x128xf32, #tpu.memory_space<vmem>>
    %dma_start3A_60 = arith.constant 0 : i32
    %dma_start3A_61 = tpu.memref_slice %arg3[%dma_start3A_60, %multiple_of3A_48] : memref<64x1000000xf32, #tpu.memory_space<hbm>> -> memref<64x128xf32, #tpu.memory_space<hbm>>
    tpu.enqueue_dma source(%dma_start3A_61 : memref<64x128xf32, #tpu.memory_space<hbm>>) target(%dma_start3A_59 : memref<64x128xf32, #tpu.memory_space<vmem>>) target_semaphore(%arg10 : memref<!tpu.dma_semaphore, #tpu.memory_space<semaphore_mem>>)
    %broadcast_in_dim3A_62 = arith.constant 3 : i32
    %broadcast_in_dim3A_63 = vector.broadcast %broadcast_in_dim3A_62 : i32 to vector<16xi32>
    %gather3A_64 = tpu.vector_load_idx %arg5[%broadcast_in_dim3A_63] : memref<512xi32, #tpu.memory_space<vmem>>[vector<16xi32>], vector<16xi32>,
    %and3A_65 = arith.constant -128 : i32
    %and3A_66 = vector.broadcast %and3A_65 : i32 to vector<16xi32>
    %and3A_67 = arith.andi %gather3A_64, %and3A_66 : vector<16xi32>
    %slice3A_68 = vector.extract_strided_slice %and3A_67 {offsets = [0], sizes = [1], strides = [1]} : vector<16xi32> to vector<1xi32>
    %squeeze3A_69 = vector.extract %slice3A_68[0] : i32 from vector<1xi32>
    %multiple_of3A_70 = tpu.assume_multiple %squeeze3A_69, 128 : i32
    %dma_start3A_71 = arith.constant 3 : i32
    %dma_start3A_72 = arith.constant 0 : i32
    %dma_start3A_73 = arith.constant 0 : i32
    %dma_start3A_74 = tpu.memref_slice %arg6[%dma_start3A_71, %dma_start3A_72, %dma_start3A_73] : memref<8x64x128xf32, #tpu.memory_space<vmem>> -> memref<1x64x128xf32, #tpu.memory_space<vmem>>
    %dma_start3A_75 = tpu.memref_squeeze %dma_start3A_74 : memref<1x64x128xf32, #tpu.memory_space<vmem>> -> memref<64x128xf32, #tpu.memory_space<vmem>>
    %dma_start3A_76 = arith.constant 0 : i32
    %dma_start3A_77 = tpu.memref_slice %arg3[%dma_start3A_76, %multiple_of3A_70] : memref<64x1000000xf32, #tpu.memory_space<hbm>> -> memref<64x128xf32, #tpu.memory_space<hbm>>
    %dma_start3A_78 = arith.constant 0 : i32
    %dma_start3A_79 = arith.constant 0 : i32
    %dma_start3A_80 = tpu.memref_slice %arg6[%dma_start3A_71, %dma_start3A_78, %dma_start3A_79] : memref<8x64x128xf32, #tpu.memory_space<vmem>> -> memref<1x64x128xf32, #tpu.memory_space<vmem>>
    %dma_start3A_81 = tpu.memref_squeeze %dma_start3A_80 : memref<1x64x128xf32, #tpu.memory_space<vmem>> -> memref<64x128xf32, #tpu.memory_space<vmem>>
    %dma_start3A_82 = arith.constant 0 : i32
    %dma_start3A_83 = tpu.memref_slice %arg3[%dma_start3A_82, %multiple_of3A_70] : memref<64x1000000xf32, #tpu.memory_space<hbm>> -> memref<64x128xf32, #tpu.memory_space<hbm>>
    tpu.enqueue_dma source(%dma_start3A_83 : memref<64x128xf32, #tpu.memory_space<hbm>>) target(%dma_start3A_81 : memref<64x128xf32, #tpu.memory_space<vmem>>) target_semaphore(%arg11 : memref<!tpu.dma_semaphore, #tpu.memory_space<semaphore_mem>>)
    %broadcast_in_dim3A_84 = arith.constant 4 : i32
    %broadcast_in_dim3A_85 = vector.broadcast %broadcast_in_dim3A_84 : i32 to vector<16xi32>
    %gather3A_86 = tpu.vector_load_idx %arg5[%broadcast_in_dim3A_85] : memref<512xi32, #tpu.memory_space<vmem>>[vector<16xi32>], vector<16xi32>,
    %and3A_87 = arith.constant -128 : i32
    %and3A_88 = vector.broadcast %and3A_87 : i32 to vector<16xi32>
    %and3A_89 = arith.andi %gather3A_86, %and3A_88 : vector<16xi32>
    %slice3A_90 = vector.extract_strided_slice %and3A_89 {offsets = [0], sizes = [1], strides = [1]} : vector<16xi32> to vector<1xi32>
    %squeeze3A_91 = vector.extract %slice3A_90[0] : i32 from vector<1xi32>
    %multiple_of3A_92 = tpu.assume_multiple %squeeze3A_91, 128 : i32
    %dma_start3A_93 = arith.constant 4 : i32
    %dma_start3A_94 = arith.constant 0 : i32
    %dma_start3A_95 = arith.constant 0 : i32
    %dma_start3A_96 = tpu.memref_slice %arg6[%dma_start3A_93, %dma_start3A_94, %dma_start3A_95] : memref<8x64x128xf32, #tpu.memory_space<vmem>> -> memref<1x64x128xf32, #tpu.memory_space<vmem>>
    %dma_start3A_97 = tpu.memref_squeeze %dma_start3A_96 : memref<1x64x128xf32, #tpu.memory_space<vmem>> -> memref<64x128xf32, #tpu.memory_space<vmem>>
    %dma_start3A_98 = arith.constant 0 : i32
    %dma_start3A_99 = tpu.memref_slice %arg3[%dma_start3A_98, %multiple_of3A_92] : memref<64x1000000xf32, #tpu.memory_space<hbm>> -> memref<64x128xf32, #tpu.memory_space<hbm>>
    %dma_start3A_100 = arith.constant 0 : i32
    %dma_start3A_101 = arith.constant 0 : i32
    %dma_start3A_102 = tpu.memref_slice %arg6[%dma_start3A_93, %dma_start3A_100, %dma_start3A_101] : memref<8x64x128xf32, #tpu.memory_space<vmem>> -> memref<1x64x128xf32, #tpu.memory_space<vmem>>
    %dma_start3A_103 = tpu.memref_squeeze %dma_start3A_102 : memref<1x64x128xf32, #tpu.memory_space<vmem>> -> memref<64x128xf32, #tpu.memory_space<vmem>>
    %dma_start3A_104 = arith.constant 0 : i32
    %dma_start3A_105 = tpu.memref_slice %arg3[%dma_start3A_104, %multiple_of3A_92] : memref<64x1000000xf32, #tpu.memory_space<hbm>> -> memref<64x128xf32, #tpu.memory_space<hbm>>
    tpu.enqueue_dma source(%dma_start3A_105 : memref<64x128xf32, #tpu.memory_space<hbm>>) target(%dma_start3A_103 : memref<64x128xf32, #tpu.memory_space<vmem>>) target_semaphore(%arg12 : memref<!tpu.dma_semaphore, #tpu.memory_space<semaphore_mem>>)
    %broadcast_in_dim3A_106 = arith.constant 5 : i32
    %broadcast_in_dim3A_107 = vector.broadcast %broadcast_in_dim3A_106 : i32 to vector<16xi32>
    %gather3A_108 = tpu.vector_load_idx %arg5[%broadcast_in_dim3A_107] : memref<512xi32, #tpu.memory_space<vmem>>[vector<16xi32>], vector<16xi32>,
    %and3A_109 = arith.constant -128 : i32
    %and3A_110 = vector.broadcast %and3A_109 : i32 to vector<16xi32>
    %and3A_111 = arith.andi %gather3A_108, %and3A_110 : vector<16xi32>
    %slice3A_112 = vector.extract_strided_slice %and3A_111 {offsets = [0], sizes = [1], strides = [1]} : vector<16xi32> to vector<1xi32>
    %squeeze3A_113 = vector.extract %slice3A_112[0] : i32 from vector<1xi32>
    %multiple_of3A_114 = tpu.assume_multiple %squeeze3A_113, 128 : i32
    %dma_start3A_115 = arith.constant 5 : i32
    %dma_start3A_116 = arith.constant 0 : i32
    %dma_start3A_117 = arith.constant 0 : i32
    %dma_start3A_118 = tpu.memref_slice %arg6[%dma_start3A_115, %dma_start3A_116, %dma_start3A_117] : memref<8x64x128xf32, #tpu.memory_space<vmem>> -> memref<1x64x128xf32, #tpu.memory_space<vmem>>
    %dma_start3A_119 = tpu.memref_squeeze %dma_start3A_118 : memref<1x64x128xf32, #tpu.memory_space<vmem>> -> memref<64x128xf32, #tpu.memory_space<vmem>>
    %dma_start3A_120 = arith.constant 0 : i32
    %dma_start3A_121 = tpu.memref_slice %arg3[%dma_start3A_120, %multiple_of3A_114] : memref<64x1000000xf32, #tpu.memory_space<hbm>> -> memref<64x128xf32, #tpu.memory_space<hbm>>
    %dma_start3A_122 = arith.constant 0 : i32
    %dma_start3A_123 = arith.constant 0 : i32
    %dma_start3A_124 = tpu.memref_slice %arg6[%dma_start3A_115, %dma_start3A_122, %dma_start3A_123] : memref<8x64x128xf32, #tpu.memory_space<vmem>> -> memref<1x64x128xf32, #tpu.memory_space<vmem>>
    %dma_start3A_125 = tpu.memref_squeeze %dma_start3A_124 : memref<1x64x128xf32, #tpu.memory_space<vmem>> -> memref<64x128xf32, #tpu.memory_space<vmem>>
    %dma_start3A_126 = arith.constant 0 : i32
    %dma_start3A_127 = tpu.memref_slice %arg3[%dma_start3A_126, %multiple_of3A_114] : memref<64x1000000xf32, #tpu.memory_space<hbm>> -> memref<64x128xf32, #tpu.memory_space<hbm>>
    tpu.enqueue_dma source(%dma_start3A_127 : memref<64x128xf32, #tpu.memory_space<hbm>>) target(%dma_start3A_125 : memref<64x128xf32, #tpu.memory_space<vmem>>) target_semaphore(%arg13 : memref<!tpu.dma_semaphore, #tpu.memory_space<semaphore_mem>>)
    %broadcast_in_dim3A_128 = arith.constant 6 : i32
    %broadcast_in_dim3A_129 = vector.broadcast %broadcast_in_dim3A_128 : i32 to vector<16xi32>
    %gather3A_130 = tpu.vector_load_idx %arg5[%broadcast_in_dim3A_129] : memref<512xi32, #tpu.memory_space<vmem>>[vector<16xi32>], vector<16xi32>,
    %and3A_131 = arith.constant -128 : i32
    %and3A_132 = vector.broadcast %and3A_131 : i32 to vector<16xi32>
    %and3A_133 = arith.andi %gather3A_130, %and3A_132 : vector<16xi32>
    %slice3A_134 = vector.extract_strided_slice %and3A_133 {offsets = [0], sizes = [1], strides = [1]} : vector<16xi32> to vector<1xi32>
    %squeeze3A_135 = vector.extract %slice3A_134[0] : i32 from vector<1xi32>
    %multiple_of3A_136 = tpu.assume_multiple %squeeze3A_135, 128 : i32
    %dma_start3A_137 = arith.constant 6 : i32
    %dma_start3A_138 = arith.constant 0 : i32
    %dma_start3A_139 = arith.constant 0 : i32
    %dma_start3A_140 = tpu.memref_slice %arg6[%dma_start3A_137, %dma_start3A_138, %dma_start3A_139] : memref<8x64x128xf32, #tpu.memory_space<vmem>> -> memref<1x64x128xf32, #tpu.memory_space<vmem>>
    %dma_start3A_141 = tpu.memref_squeeze %dma_start3A_140 : memref<1x64x128xf32, #tpu.memory_space<vmem>> -> memref<64x128xf32, #tpu.memory_space<vmem>>
    %dma_start3A_142 = arith.constant 0 : i32
    %dma_start3A_143 = tpu.memref_slice %arg3[%dma_start3A_142, %multiple_of3A_136] : memref<64x1000000xf32, #tpu.memory_space<hbm>> -> memref<64x128xf32, #tpu.memory_space<hbm>>
    %dma_start3A_144 = arith.constant 0 : i32
    %dma_start3A_145 = arith.constant 0 : i32
    %dma_start3A_146 = tpu.memref_slice %arg6[%dma_start3A_137, %dma_start3A_144, %dma_start3A_145] : memref<8x64x128xf32, #tpu.memory_space<vmem>> -> memref<1x64x128xf32, #tpu.memory_space<vmem>>
    %dma_start3A_147 = tpu.memref_squeeze %dma_start3A_146 : memref<1x64x128xf32, #tpu.memory_space<vmem>> -> memref<64x128xf32, #tpu.memory_space<vmem>>
    %dma_start3A_148 = arith.constant 0 : i32
    %dma_start3A_149 = tpu.memref_slice %arg3[%dma_start3A_148, %multiple_of3A_136] : memref<64x1000000xf32, #tpu.memory_space<hbm>> -> memref<64x128xf32, #tpu.memory_space<hbm>>
    tpu.enqueue_dma source(%dma_start3A_149 : memref<64x128xf32, #tpu.memory_space<hbm>>) target(%dma_start3A_147 : memref<64x128xf32, #tpu.memory_space<vmem>>) target_semaphore(%arg14 : memref<!tpu.dma_semaphore, #tpu.memory_space<semaphore_mem>>)
    %broadcast_in_dim3A_150 = arith.constant 7 : i32
    %broadcast_in_dim3A_151 = vector.broadcast %broadcast_in_dim3A_150 : i32 to vector<16xi32>
    %gather3A_152 = tpu.vector_load_idx %arg5[%broadcast_in_dim3A_151] : memref<512xi32, #tpu.memory_space<vmem>>[vector<16xi32>], vector<16xi32>,
    %and3A_153 = arith.constant -128 : i32
    %and3A_154 = vector.broadcast %and3A_153 : i32 to vector<16xi32>
    %and3A_155 = arith.andi %gather3A_152, %and3A_154 : vector<16xi32>
    %slice3A_156 = vector.extract_strided_slice %and3A_155 {offsets = [0], sizes = [1], strides = [1]} : vector<16xi32> to vector<1xi32>
    %squeeze3A_157 = vector.extract %slice3A_156[0] : i32 from vector<1xi32>
    %multiple_of3A_158 = tpu.assume_multiple %squeeze3A_157, 128 : i32
    %dma_start3A_159 = arith.constant 7 : i32
    %dma_start3A_160 = arith.constant 0 : i32
    %dma_start3A_161 = arith.constant 0 : i32
    %dma_start3A_162 = tpu.memref_slice %arg6[%dma_start3A_159, %dma_start3A_160, %dma_start3A_161] : memref<8x64x128xf32, #tpu.memory_space<vmem>> -> memref<1x64x128xf32, #tpu.memory_space<vmem>>
    %dma_start3A_163 = tpu.memref_squeeze %dma_start3A_162 : memref<1x64x128xf32, #tpu.memory_space<vmem>> -> memref<64x128xf32, #tpu.memory_space<vmem>>
    %dma_start3A_164 = arith.constant 0 : i32
    %dma_start3A_165 = tpu.memref_slice %arg3[%dma_start3A_164, %multiple_of3A_158] : memref<64x1000000xf32, #tpu.memory_space<hbm>> -> memref<64x128xf32, #tpu.memory_space<hbm>>
    %dma_start3A_166 = arith.constant 0 : i32
    %dma_start3A_167 = arith.constant 0 : i32
    %dma_start3A_168 = tpu.memref_slice %arg6[%dma_start3A_159, %dma_start3A_166, %dma_start3A_167] : memref<8x64x128xf32, #tpu.memory_space<vmem>> -> memref<1x64x128xf32, #tpu.memory_space<vmem>>
    %dma_start3A_169 = tpu.memref_squeeze %dma_start3A_168 : memref<1x64x128xf32, #tpu.memory_space<vmem>> -> memref<64x128xf32, #tpu.memory_space<vmem>>
    %dma_start3A_170 = arith.constant 0 : i32
    %dma_start3A_171 = tpu.memref_slice %arg3[%dma_start3A_170, %multiple_of3A_158] : memref<64x1000000xf32, #tpu.memory_space<hbm>> -> memref<64x128xf32, #tpu.memory_space<hbm>>
    tpu.enqueue_dma source(%dma_start3A_171 : memref<64x128xf32, #tpu.memory_space<hbm>>) target(%dma_start3A_169 : memref<64x128xf32, #tpu.memory_space<vmem>>) target_semaphore(%arg15 : memref<!tpu.dma_semaphore, #tpu.memory_space<semaphore_mem>>)
    %scan3A = arith.constant 0 : i32
    %scan3A_172 = arith.constant 0 : i32
    %scan3A_173 = arith.constant 64 : i32
    %scan3A_174 = arith.addi %scan3A_172, %scan3A_173 : i32
    %scan3A_175 = arith.constant 1 : i32
    scf.for %scan3A_177 = %scan3A_172 to %scan3A_174 step %scan3A_175  : i32 {
      %mul3A_178 = arith.constant 8 : i32
      %mul3A_179 = arith.muli %scan3A_177, %mul3A_178 : i32
      %add3A_180 = arith.constant 0 : i32
      %add3A_181 = arith.addi %mul3A_179, %add3A_180 : i32
      %dma_wait3A = arith.constant 0 : i32
      %dma_wait3A_182 = arith.constant 0 : i32
      %dma_wait3A_183 = arith.constant 0 : i32
      %dma_wait3A_184 = tpu.memref_slice %arg6[%dma_wait3A, %dma_wait3A_182, %dma_wait3A_183] : memref<8x64x128xf32, #tpu.memory_space<vmem>> -> memref<1x64x128xf32, #tpu.memory_space<vmem>>
      %dma_wait3A_185 = tpu.memref_squeeze %dma_wait3A_184 : memref<1x64x128xf32, #tpu.memory_space<vmem>> -> memref<64x128xf32, #tpu.memory_space<vmem>>
      %dma_wait3A_186 = arith.constant 0 : i32
      %dma_wait3A_187 = arith.constant 0 : i32
      %dma_wait3A_188 = tpu.memref_slice %arg3[%dma_wait3A_186, %dma_wait3A_187] : memref<64x1000000xf32, #tpu.memory_space<hbm>> -> memref<64x128xf32, #tpu.memory_space<hbm>>
      %dma_wait3A_189 = arith.constant 0 : i32
      %dma_wait3A_190 = arith.constant 0 : i32
      %dma_wait3A_191 = tpu.memref_slice %arg6[%dma_wait3A, %dma_wait3A_189, %dma_wait3A_190] : memref<8x64x128xf32, #tpu.memory_space<vmem>> -> memref<1x64x128xf32, #tpu.memory_space<vmem>>
      %dma_wait3A_192 = tpu.memref_squeeze %dma_wait3A_191 : memref<1x64x128xf32, #tpu.memory_space<vmem>> -> memref<64x128xf32, #tpu.memory_space<vmem>>
      %dma_wait3A_193 = arith.constant 0 : i32
      %dma_wait3A_194 = arith.constant 0 : i32
      %dma_wait3A_195 = tpu.memref_slice %arg3[%dma_wait3A_193, %dma_wait3A_194] : memref<64x1000000xf32, #tpu.memory_space<hbm>> -> memref<64x128xf32, #tpu.memory_space<hbm>>
      tpu.wait_dma2 semaphore(%arg8 : memref<!tpu.dma_semaphore, #tpu.memory_space<semaphore_mem>>) src(%dma_wait3A_195 : memref<64x128xf32, #tpu.memory_space<hbm>>) dst(%dma_wait3A_192 : memref<64x128xf32, #tpu.memory_space<vmem>>)
      %broadcast_in_dim3A_196 = vector.broadcast %add3A_181 : i32 to vector<16xi32>
      %gather3A_197 = tpu.vector_load_idx %arg5[%broadcast_in_dim3A_196] : memref<512xi32, #tpu.memory_space<vmem>>[vector<16xi32>], vector<16xi32>,
      %and3A_198 = arith.constant 127 : i32
      %and3A_199 = vector.broadcast %and3A_198 : i32 to vector<16xi32>
      %and3A_200 = arith.andi %gather3A_197, %and3A_199 : vector<16xi32>
      %broadcast_in_dim3A_201 = vector.broadcast %add3A_181 : i32 to vector<16xi32>
      %add3A_202 = arith.constant 0 : i32
      %add3A_203 = vector.broadcast %add3A_202 : i32 to vector<16xi32>
      %add3A_204 = arith.addi %add3A_203, %iota3A : vector<16xi32>
      %gather3A_205 = arith.constant 0 : i32
      %gather3A_206 = arith.constant 0 : i32
      %gather3A_207 = arith.constant 0 : i32
      %gather3A_208 = tpu.memref_slice %arg6[%gather3A_205, %gather3A_206, %gather3A_207] : memref<8x64x128xf32, #tpu.memory_space<vmem>> -> memref<1x64x128xf32, #tpu.memory_space<vmem>>
      %gather3A_209 = tpu.memref_squeeze %gather3A_208 : memref<1x64x128xf32, #tpu.memory_space<vmem>> -> memref<64x128xf32, #tpu.memory_space<vmem>>
      %gather3A_210 = tpu.vector_load_idx %gather3A_209[%add3A_204, %and3A_200] : memref<64x128xf32, #tpu.memory_space<vmem>>[vector<16xi32>, vector<16xi32>], vector<16xf32>,
      %add3A_211 = arith.constant 0 : i32
      %add3A_212 = vector.broadcast %add3A_211 : i32 to vector<16xi32>
      %add3A_213 = arith.addi %add3A_212, %iota3A : vector<16xi32>
      tpu.vector_store_idx %arg7[%add3A_213, %broadcast_in_dim3A_201], %gather3A_210 : memref<64x512xf32, #tpu.memory_space<vmem>>[vector<16xi32>, vector<16xi32>], vector<16xf32>,
      %add3A_214 = arith.constant 16 : i32
      %add3A_215 = vector.broadcast %add3A_214 : i32 to vector<16xi32>
      %add3A_216 = arith.addi %add3A_215, %iota3A : vector<16xi32>
      %gather3A_217 = arith.constant 0 : i32
      %gather3A_218 = arith.constant 0 : i32
      %gather3A_219 = arith.constant 0 : i32
      %gather3A_220 = tpu.memref_slice %arg6[%gather3A_217, %gather3A_218, %gather3A_219] : memref<8x64x128xf32, #tpu.memory_space<vmem>> -> memref<1x64x128xf32, #tpu.memory_space<vmem>>
      %gather3A_221 = tpu.memref_squeeze %gather3A_220 : memref<1x64x128xf32, #tpu.memory_space<vmem>> -> memref<64x128xf32, #tpu.memory_space<vmem>>
      %gather3A_222 = tpu.vector_load_idx %gather3A_221[%add3A_216, %and3A_200] : memref<64x128xf32, #tpu.memory_space<vmem>>[vector<16xi32>, vector<16xi32>], vector<16xf32>,
      %add3A_223 = arith.constant 16 : i32
      %add3A_224 = vector.broadcast %add3A_223 : i32 to vector<16xi32>
      %add3A_225 = arith.addi %add3A_224, %iota3A : vector<16xi32>
      tpu.vector_store_idx %arg7[%add3A_225, %broadcast_in_dim3A_201], %gather3A_222 : memref<64x512xf32, #tpu.memory_space<vmem>>[vector<16xi32>, vector<16xi32>], vector<16xf32>,
      %add3A_226 = arith.constant 32 : i32
      %add3A_227 = vector.broadcast %add3A_226 : i32 to vector<16xi32>
      %add3A_228 = arith.addi %add3A_227, %iota3A : vector<16xi32>
      %gather3A_229 = arith.constant 0 : i32
      %gather3A_230 = arith.constant 0 : i32
      %gather3A_231 = arith.constant 0 : i32
      %gather3A_232 = tpu.memref_slice %arg6[%gather3A_229, %gather3A_230, %gather3A_231] : memref<8x64x128xf32, #tpu.memory_space<vmem>> -> memref<1x64x128xf32, #tpu.memory_space<vmem>>
      %gather3A_233 = tpu.memref_squeeze %gather3A_232 : memref<1x64x128xf32, #tpu.memory_space<vmem>> -> memref<64x128xf32, #tpu.memory_space<vmem>>
      %gather3A_234 = tpu.vector_load_idx %gather3A_233[%add3A_228, %and3A_200] : memref<64x128xf32, #tpu.memory_space<vmem>>[vector<16xi32>, vector<16xi32>], vector<16xf32>,
      %add3A_235 = arith.constant 32 : i32
      %add3A_236 = vector.broadcast %add3A_235 : i32 to vector<16xi32>
      %add3A_237 = arith.addi %add3A_236, %iota3A : vector<16xi32>
      tpu.vector_store_idx %arg7[%add3A_237, %broadcast_in_dim3A_201], %gather3A_234 : memref<64x512xf32, #tpu.memory_space<vmem>>[vector<16xi32>, vector<16xi32>], vector<16xf32>,
      %add3A_238 = arith.constant 48 : i32
      %add3A_239 = vector.broadcast %add3A_238 : i32 to vector<16xi32>
      %add3A_240 = arith.addi %add3A_239, %iota3A : vector<16xi32>
      %gather3A_241 = arith.constant 0 : i32
      %gather3A_242 = arith.constant 0 : i32
      %gather3A_243 = arith.constant 0 : i32
      %gather3A_244 = tpu.memref_slice %arg6[%gather3A_241, %gather3A_242, %gather3A_243] : memref<8x64x128xf32, #tpu.memory_space<vmem>> -> memref<1x64x128xf32, #tpu.memory_space<vmem>>
      %gather3A_245 = tpu.memref_squeeze %gather3A_244 : memref<1x64x128xf32, #tpu.memory_space<vmem>> -> memref<64x128xf32, #tpu.memory_space<vmem>>
      %gather3A_246 = tpu.vector_load_idx %gather3A_245[%add3A_240, %and3A_200] : memref<64x128xf32, #tpu.memory_space<vmem>>[vector<16xi32>, vector<16xi32>], vector<16xf32>,
      %add3A_247 = arith.constant 48 : i32
      %add3A_248 = vector.broadcast %add3A_247 : i32 to vector<16xi32>
      %add3A_249 = arith.addi %add3A_248, %iota3A : vector<16xi32>
      tpu.vector_store_idx %arg7[%add3A_249, %broadcast_in_dim3A_201], %gather3A_246 : memref<64x512xf32, #tpu.memory_space<vmem>>[vector<16xi32>, vector<16xi32>], vector<16xf32>,
      %add3A_250 = arith.constant 8 : i32
      %add3A_251 = arith.addi %add3A_181, %add3A_250 : i32
      %lt3A = arith.constant 512 : i32
      %lt3A_252 = arith.cmpi slt, %add3A_251, %lt3A : i32
      %convert_element_type3A = arith.extui %lt3A_252 : i1 to i32
      %cond3A = arith.constant 0 : i32
      %cond3A_253 = arith.cmpi ne, %convert_element_type3A, %cond3A : i32
      scf.if %cond3A_253 {
        %broadcast_in_dim3A_814 = vector.broadcast %add3A_251 : i32 to vector<16xi32>
        %gather3A_815 = tpu.vector_load_idx %arg5[%broadcast_in_dim3A_814] : memref<512xi32, #tpu.memory_space<vmem>>[vector<16xi32>], vector<16xi32>,
        %and3A_816 = arith.constant -128 : i32
        %and3A_817 = vector.broadcast %and3A_816 : i32 to vector<16xi32>
        %and3A_818 = arith.andi %gather3A_815, %and3A_817 : vector<16xi32>
        %slice3A_819 = vector.extract_strided_slice %and3A_818 {offsets = [0], sizes = [1], strides = [1]} : vector<16xi32> to vector<1xi32>
        %squeeze3A_820 = vector.extract %slice3A_819[0] : i32 from vector<1xi32>
        %multiple_of3A_821 = tpu.assume_multiple %squeeze3A_820, 128 : i32
        %dma_start3A_822 = arith.constant 0 : i32
        %dma_start3A_823 = arith.constant 0 : i32
        %dma_start3A_824 = arith.constant 0 : i32
        %dma_start3A_825 = tpu.memref_slice %arg6[%dma_start3A_822, %dma_start3A_823, %dma_start3A_824] : memref<8x64x128xf32, #tpu.memory_space<vmem>> -> memref<1x64x128xf32, #tpu.memory_space<vmem>>
        %dma_start3A_826 = tpu.memref_squeeze %dma_start3A_825 : memref<1x64x128xf32, #tpu.memory_space<vmem>> -> memref<64x128xf32, #tpu.memory_space<vmem>>
        %dma_start3A_827 = arith.constant 0 : i32
        %dma_start3A_828 = tpu.memref_slice %arg3[%dma_start3A_827, %multiple_of3A_821] : memref<64x1000000xf32, #tpu.memory_space<hbm>> -> memref<64x128xf32, #tpu.memory_space<hbm>>
        %dma_start3A_829 = arith.constant 0 : i32
        %dma_start3A_830 = arith.constant 0 : i32
        %dma_start3A_831 = tpu.memref_slice %arg6[%dma_start3A_822, %dma_start3A_829, %dma_start3A_830] : memref<8x64x128xf32, #tpu.memory_space<vmem>> -> memref<1x64x128xf32, #tpu.memory_space<vmem>>
        %dma_start3A_832 = tpu.memref_squeeze %dma_start3A_831 : memref<1x64x128xf32, #tpu.memory_space<vmem>> -> memref<64x128xf32, #tpu.memory_space<vmem>>
        %dma_start3A_833 = arith.constant 0 : i32
        %dma_start3A_834 = tpu.memref_slice %arg3[%dma_start3A_833, %multiple_of3A_821] : memref<64x1000000xf32, #tpu.memory_space<hbm>> -> memref<64x128xf32, #tpu.memory_space<hbm>>
        tpu.enqueue_dma source(%dma_start3A_834 : memref<64x128xf32, #tpu.memory_space<hbm>>) target(%dma_start3A_832 : memref<64x128xf32, #tpu.memory_space<vmem>>) target_semaphore(%arg8 : memref<!tpu.dma_semaphore, #tpu.memory_space<semaphore_mem>>)
      } else {
      }
      %mul3A_254 = arith.constant 8 : i32
      %mul3A_255 = arith.muli %scan3A_177, %mul3A_254 : i32
      %add3A_256 = arith.constant 1 : i32
      %add3A_257 = arith.addi %mul3A_255, %add3A_256 : i32
      %dma_wait3A_258 = arith.constant 1 : i32
      %dma_wait3A_259 = arith.constant 0 : i32
      %dma_wait3A_260 = arith.constant 0 : i32
      %dma_wait3A_261 = tpu.memref_slice %arg6[%dma_wait3A_258, %dma_wait3A_259, %dma_wait3A_260] : memref<8x64x128xf32, #tpu.memory_space<vmem>> -> memref<1x64x128xf32, #tpu.memory_space<vmem>>
      %dma_wait3A_262 = tpu.memref_squeeze %dma_wait3A_261 : memref<1x64x128xf32, #tpu.memory_space<vmem>> -> memref<64x128xf32, #tpu.memory_space<vmem>>
      %dma_wait3A_263 = arith.constant 0 : i32
      %dma_wait3A_264 = arith.constant 0 : i32
      %dma_wait3A_265 = tpu.memref_slice %arg3[%dma_wait3A_263, %dma_wait3A_264] : memref<64x1000000xf32, #tpu.memory_space<hbm>> -> memref<64x128xf32, #tpu.memory_space<hbm>>
      %dma_wait3A_266 = arith.constant 0 : i32
      %dma_wait3A_267 = arith.constant 0 : i32
      %dma_wait3A_268 = tpu.memref_slice %arg6[%dma_wait3A_258, %dma_wait3A_266, %dma_wait3A_267] : memref<8x64x128xf32, #tpu.memory_space<vmem>> -> memref<1x64x128xf32, #tpu.memory_space<vmem>>
      %dma_wait3A_269 = tpu.memref_squeeze %dma_wait3A_268 : memref<1x64x128xf32, #tpu.memory_space<vmem>> -> memref<64x128xf32, #tpu.memory_space<vmem>>
      %dma_wait3A_270 = arith.constant 0 : i32
      %dma_wait3A_271 = arith.constant 0 : i32
      %dma_wait3A_272 = tpu.memref_slice %arg3[%dma_wait3A_270, %dma_wait3A_271] : memref<64x1000000xf32, #tpu.memory_space<hbm>> -> memref<64x128xf32, #tpu.memory_space<hbm>>
      tpu.wait_dma2 semaphore(%arg9 : memref<!tpu.dma_semaphore, #tpu.memory_space<semaphore_mem>>) src(%dma_wait3A_272 : memref<64x128xf32, #tpu.memory_space<hbm>>) dst(%dma_wait3A_269 : memref<64x128xf32, #tpu.memory_space<vmem>>)
      %broadcast_in_dim3A_273 = vector.broadcast %add3A_257 : i32 to vector<16xi32>
      %gather3A_274 = tpu.vector_load_idx %arg5[%broadcast_in_dim3A_273] : memref<512xi32, #tpu.memory_space<vmem>>[vector<16xi32>], vector<16xi32>,
      %and3A_275 = arith.constant 127 : i32
      %and3A_276 = vector.broadcast %and3A_275 : i32 to vector<16xi32>
      %and3A_277 = arith.andi %gather3A_274, %and3A_276 : vector<16xi32>
      %broadcast_in_dim3A_278 = vector.broadcast %add3A_257 : i32 to vector<16xi32>
      %add3A_279 = arith.constant 0 : i32
      %add3A_280 = vector.broadcast %add3A_279 : i32 to vector<16xi32>
      %add3A_281 = arith.addi %add3A_280, %iota3A : vector<16xi32>
      %gather3A_282 = arith.constant 1 : i32
      %gather3A_283 = arith.constant 0 : i32
      %gather3A_284 = arith.constant 0 : i32
      %gather3A_285 = tpu.memref_slice %arg6[%gather3A_282, %gather3A_283, %gather3A_284] : memref<8x64x128xf32, #tpu.memory_space<vmem>> -> memref<1x64x128xf32, #tpu.memory_space<vmem>>
      %gather3A_286 = tpu.memref_squeeze %gather3A_285 : memref<1x64x128xf32, #tpu.memory_space<vmem>> -> memref<64x128xf32, #tpu.memory_space<vmem>>
      %gather3A_287 = tpu.vector_load_idx %gather3A_286[%add3A_281, %and3A_277] : memref<64x128xf32, #tpu.memory_space<vmem>>[vector<16xi32>, vector<16xi32>], vector<16xf32>,
      %add3A_288 = arith.constant 0 : i32
      %add3A_289 = vector.broadcast %add3A_288 : i32 to vector<16xi32>
      %add3A_290 = arith.addi %add3A_289, %iota3A : vector<16xi32>
      tpu.vector_store_idx %arg7[%add3A_290, %broadcast_in_dim3A_278], %gather3A_287 : memref<64x512xf32, #tpu.memory_space<vmem>>[vector<16xi32>, vector<16xi32>], vector<16xf32>,
      %add3A_291 = arith.constant 16 : i32
      %add3A_292 = vector.broadcast %add3A_291 : i32 to vector<16xi32>
      %add3A_293 = arith.addi %add3A_292, %iota3A : vector<16xi32>
      %gather3A_294 = arith.constant 1 : i32
      %gather3A_295 = arith.constant 0 : i32
      %gather3A_296 = arith.constant 0 : i32
      %gather3A_297 = tpu.memref_slice %arg6[%gather3A_294, %gather3A_295, %gather3A_296] : memref<8x64x128xf32, #tpu.memory_space<vmem>> -> memref<1x64x128xf32, #tpu.memory_space<vmem>>
      %gather3A_298 = tpu.memref_squeeze %gather3A_297 : memref<1x64x128xf32, #tpu.memory_space<vmem>> -> memref<64x128xf32, #tpu.memory_space<vmem>>
      %gather3A_299 = tpu.vector_load_idx %gather3A_298[%add3A_293, %and3A_277] : memref<64x128xf32, #tpu.memory_space<vmem>>[vector<16xi32>, vector<16xi32>], vector<16xf32>,
      %add3A_300 = arith.constant 16 : i32
      %add3A_301 = vector.broadcast %add3A_300 : i32 to vector<16xi32>
      %add3A_302 = arith.addi %add3A_301, %iota3A : vector<16xi32>
      tpu.vector_store_idx %arg7[%add3A_302, %broadcast_in_dim3A_278], %gather3A_299 : memref<64x512xf32, #tpu.memory_space<vmem>>[vector<16xi32>, vector<16xi32>], vector<16xf32>,
      %add3A_303 = arith.constant 32 : i32
      %add3A_304 = vector.broadcast %add3A_303 : i32 to vector<16xi32>
      %add3A_305 = arith.addi %add3A_304, %iota3A : vector<16xi32>
      %gather3A_306 = arith.constant 1 : i32
      %gather3A_307 = arith.constant 0 : i32
      %gather3A_308 = arith.constant 0 : i32
      %gather3A_309 = tpu.memref_slice %arg6[%gather3A_306, %gather3A_307, %gather3A_308] : memref<8x64x128xf32, #tpu.memory_space<vmem>> -> memref<1x64x128xf32, #tpu.memory_space<vmem>>
      %gather3A_310 = tpu.memref_squeeze %gather3A_309 : memref<1x64x128xf32, #tpu.memory_space<vmem>> -> memref<64x128xf32, #tpu.memory_space<vmem>>
      %gather3A_311 = tpu.vector_load_idx %gather3A_310[%add3A_305, %and3A_277] : memref<64x128xf32, #tpu.memory_space<vmem>>[vector<16xi32>, vector<16xi32>], vector<16xf32>,
      %add3A_312 = arith.constant 32 : i32
      %add3A_313 = vector.broadcast %add3A_312 : i32 to vector<16xi32>
      %add3A_314 = arith.addi %add3A_313, %iota3A : vector<16xi32>
      tpu.vector_store_idx %arg7[%add3A_314, %broadcast_in_dim3A_278], %gather3A_311 : memref<64x512xf32, #tpu.memory_space<vmem>>[vector<16xi32>, vector<16xi32>], vector<16xf32>,
      %add3A_315 = arith.constant 48 : i32
      %add3A_316 = vector.broadcast %add3A_315 : i32 to vector<16xi32>
      %add3A_317 = arith.addi %add3A_316, %iota3A : vector<16xi32>
      %gather3A_318 = arith.constant 1 : i32
      %gather3A_319 = arith.constant 0 : i32
      %gather3A_320 = arith.constant 0 : i32
      %gather3A_321 = tpu.memref_slice %arg6[%gather3A_318, %gather3A_319, %gather3A_320] : memref<8x64x128xf32, #tpu.memory_space<vmem>> -> memref<1x64x128xf32, #tpu.memory_space<vmem>>
      %gather3A_322 = tpu.memref_squeeze %gather3A_321 : memref<1x64x128xf32, #tpu.memory_space<vmem>> -> memref<64x128xf32, #tpu.memory_space<vmem>>
      %gather3A_323 = tpu.vector_load_idx %gather3A_322[%add3A_317, %and3A_277] : memref<64x128xf32, #tpu.memory_space<vmem>>[vector<16xi32>, vector<16xi32>], vector<16xf32>,
      %add3A_324 = arith.constant 48 : i32
      %add3A_325 = vector.broadcast %add3A_324 : i32 to vector<16xi32>
      %add3A_326 = arith.addi %add3A_325, %iota3A : vector<16xi32>
      tpu.vector_store_idx %arg7[%add3A_326, %broadcast_in_dim3A_278], %gather3A_323 : memref<64x512xf32, #tpu.memory_space<vmem>>[vector<16xi32>, vector<16xi32>], vector<16xf32>,
      %add3A_327 = arith.constant 8 : i32
      %add3A_328 = arith.addi %add3A_257, %add3A_327 : i32
      %lt3A_329 = arith.constant 512 : i32
      %lt3A_330 = arith.cmpi slt, %add3A_328, %lt3A_329 : i32
      %convert_element_type3A_331 = arith.extui %lt3A_330 : i1 to i32
      %cond3A_332 = arith.constant 0 : i32
      %cond3A_333 = arith.cmpi ne, %convert_element_type3A_331, %cond3A_332 : i32
      scf.if %cond3A_333 {
        %broadcast_in_dim3A_814 = vector.broadcast %add3A_328 : i32 to vector<16xi32>
        %gather3A_815 = tpu.vector_load_idx %arg5[%broadcast_in_dim3A_814] : memref<512xi32, #tpu.memory_space<vmem>>[vector<16xi32>], vector<16xi32>,
        %and3A_816 = arith.constant -128 : i32
        %and3A_817 = vector.broadcast %and3A_816 : i32 to vector<16xi32>
        %and3A_818 = arith.andi %gather3A_815, %and3A_817 : vector<16xi32>
        %slice3A_819 = vector.extract_strided_slice %and3A_818 {offsets = [0], sizes = [1], strides = [1]} : vector<16xi32> to vector<1xi32>
        %squeeze3A_820 = vector.extract %slice3A_819[0] : i32 from vector<1xi32>
        %multiple_of3A_821 = tpu.assume_multiple %squeeze3A_820, 128 : i32
        %dma_start3A_822 = arith.constant 1 : i32
        %dma_start3A_823 = arith.constant 0 : i32
        %dma_start3A_824 = arith.constant 0 : i32
        %dma_start3A_825 = tpu.memref_slice %arg6[%dma_start3A_822, %dma_start3A_823, %dma_start3A_824] : memref<8x64x128xf32, #tpu.memory_space<vmem>> -> memref<1x64x128xf32, #tpu.memory_space<vmem>>
        %dma_start3A_826 = tpu.memref_squeeze %dma_start3A_825 : memref<1x64x128xf32, #tpu.memory_space<vmem>> -> memref<64x128xf32, #tpu.memory_space<vmem>>
        %dma_start3A_827 = arith.constant 0 : i32
        %dma_start3A_828 = tpu.memref_slice %arg3[%dma_start3A_827, %multiple_of3A_821] : memref<64x1000000xf32, #tpu.memory_space<hbm>> -> memref<64x128xf32, #tpu.memory_space<hbm>>
        %dma_start3A_829 = arith.constant 0 : i32
        %dma_start3A_830 = arith.constant 0 : i32
        %dma_start3A_831 = tpu.memref_slice %arg6[%dma_start3A_822, %dma_start3A_829, %dma_start3A_830] : memref<8x64x128xf32, #tpu.memory_space<vmem>> -> memref<1x64x128xf32, #tpu.memory_space<vmem>>
        %dma_start3A_832 = tpu.memref_squeeze %dma_start3A_831 : memref<1x64x128xf32, #tpu.memory_space<vmem>> -> memref<64x128xf32, #tpu.memory_space<vmem>>
        %dma_start3A_833 = arith.constant 0 : i32
        %dma_start3A_834 = tpu.memref_slice %arg3[%dma_start3A_833, %multiple_of3A_821] : memref<64x1000000xf32, #tpu.memory_space<hbm>> -> memref<64x128xf32, #tpu.memory_space<hbm>>
        tpu.enqueue_dma source(%dma_start3A_834 : memref<64x128xf32, #tpu.memory_space<hbm>>) target(%dma_start3A_832 : memref<64x128xf32, #tpu.memory_space<vmem>>) target_semaphore(%arg9 : memref<!tpu.dma_semaphore, #tpu.memory_space<semaphore_mem>>)
      } else {
      }
      %mul3A_334 = arith.constant 8 : i32
      %mul3A_335 = arith.muli %scan3A_177, %mul3A_334 : i32
      %add3A_336 = arith.constant 2 : i32
      %add3A_337 = arith.addi %mul3A_335, %add3A_336 : i32
      %dma_wait3A_338 = arith.constant 2 : i32
      %dma_wait3A_339 = arith.constant 0 : i32
      %dma_wait3A_340 = arith.constant 0 : i32
      %dma_wait3A_341 = tpu.memref_slice %arg6[%dma_wait3A_338, %dma_wait3A_339, %dma_wait3A_340] : memref<8x64x128xf32, #tpu.memory_space<vmem>> -> memref<1x64x128xf32, #tpu.memory_space<vmem>>
      %dma_wait3A_342 = tpu.memref_squeeze %dma_wait3A_341 : memref<1x64x128xf32, #tpu.memory_space<vmem>> -> memref<64x128xf32, #tpu.memory_space<vmem>>
      %dma_wait3A_343 = arith.constant 0 : i32
      %dma_wait3A_344 = arith.constant 0 : i32
      %dma_wait3A_345 = tpu.memref_slice %arg3[%dma_wait3A_343, %dma_wait3A_344] : memref<64x1000000xf32, #tpu.memory_space<hbm>> -> memref<64x128xf32, #tpu.memory_space<hbm>>
      %dma_wait3A_346 = arith.constant 0 : i32
      %dma_wait3A_347 = arith.constant 0 : i32
      %dma_wait3A_348 = tpu.memref_slice %arg6[%dma_wait3A_338, %dma_wait3A_346, %dma_wait3A_347] : memref<8x64x128xf32, #tpu.memory_space<vmem>> -> memref<1x64x128xf32, #tpu.memory_space<vmem>>
      %dma_wait3A_349 = tpu.memref_squeeze %dma_wait3A_348 : memref<1x64x128xf32, #tpu.memory_space<vmem>> -> memref<64x128xf32, #tpu.memory_space<vmem>>
      %dma_wait3A_350 = arith.constant 0 : i32
      %dma_wait3A_351 = arith.constant 0 : i32
      %dma_wait3A_352 = tpu.memref_slice %arg3[%dma_wait3A_350, %dma_wait3A_351] : memref<64x1000000xf32, #tpu.memory_space<hbm>> -> memref<64x128xf32, #tpu.memory_space<hbm>>
      tpu.wait_dma2 semaphore(%arg10 : memref<!tpu.dma_semaphore, #tpu.memory_space<semaphore_mem>>) src(%dma_wait3A_352 : memref<64x128xf32, #tpu.memory_space<hbm>>) dst(%dma_wait3A_349 : memref<64x128xf32, #tpu.memory_space<vmem>>)
      %broadcast_in_dim3A_353 = vector.broadcast %add3A_337 : i32 to vector<16xi32>
      %gather3A_354 = tpu.vector_load_idx %arg5[%broadcast_in_dim3A_353] : memref<512xi32, #tpu.memory_space<vmem>>[vector<16xi32>], vector<16xi32>,
      %and3A_355 = arith.constant 127 : i32
      %and3A_356 = vector.broadcast %and3A_355 : i32 to vector<16xi32>
      %and3A_357 = arith.andi %gather3A_354, %and3A_356 : vector<16xi32>
      %broadcast_in_dim3A_358 = vector.broadcast %add3A_337 : i32 to vector<16xi32>
      %add3A_359 = arith.constant 0 : i32
      %add3A_360 = vector.broadcast %add3A_359 : i32 to vector<16xi32>
      %add3A_361 = arith.addi %add3A_360, %iota3A : vector<16xi32>
      %gather3A_362 = arith.constant 2 : i32
      %gather3A_363 = arith.constant 0 : i32
      %gather3A_364 = arith.constant 0 : i32
      %gather3A_365 = tpu.memref_slice %arg6[%gather3A_362, %gather3A_363, %gather3A_364] : memref<8x64x128xf32, #tpu.memory_space<vmem>> -> memref<1x64x128xf32, #tpu.memory_space<vmem>>
      %gather3A_366 = tpu.memref_squeeze %gather3A_365 : memref<1x64x128xf32, #tpu.memory_space<vmem>> -> memref<64x128xf32, #tpu.memory_space<vmem>>
      %gather3A_367 = tpu.vector_load_idx %gather3A_366[%add3A_361, %and3A_357] : memref<64x128xf32, #tpu.memory_space<vmem>>[vector<16xi32>, vector<16xi32>], vector<16xf32>,
      %add3A_368 = arith.constant 0 : i32
      %add3A_369 = vector.broadcast %add3A_368 : i32 to vector<16xi32>
      %add3A_370 = arith.addi %add3A_369, %iota3A : vector<16xi32>
      tpu.vector_store_idx %arg7[%add3A_370, %broadcast_in_dim3A_358], %gather3A_367 : memref<64x512xf32, #tpu.memory_space<vmem>>[vector<16xi32>, vector<16xi32>], vector<16xf32>,
      %add3A_371 = arith.constant 16 : i32
      %add3A_372 = vector.broadcast %add3A_371 : i32 to vector<16xi32>
      %add3A_373 = arith.addi %add3A_372, %iota3A : vector<16xi32>
      %gather3A_374 = arith.constant 2 : i32
      %gather3A_375 = arith.constant 0 : i32
      %gather3A_376 = arith.constant 0 : i32
      %gather3A_377 = tpu.memref_slice %arg6[%gather3A_374, %gather3A_375, %gather3A_376] : memref<8x64x128xf32, #tpu.memory_space<vmem>> -> memref<1x64x128xf32, #tpu.memory_space<vmem>>
      %gather3A_378 = tpu.memref_squeeze %gather3A_377 : memref<1x64x128xf32, #tpu.memory_space<vmem>> -> memref<64x128xf32, #tpu.memory_space<vmem>>
      %gather3A_379 = tpu.vector_load_idx %gather3A_378[%add3A_373, %and3A_357] : memref<64x128xf32, #tpu.memory_space<vmem>>[vector<16xi32>, vector<16xi32>], vector<16xf32>,
      %add3A_380 = arith.constant 16 : i32
      %add3A_381 = vector.broadcast %add3A_380 : i32 to vector<16xi32>
      %add3A_382 = arith.addi %add3A_381, %iota3A : vector<16xi32>
      tpu.vector_store_idx %arg7[%add3A_382, %broadcast_in_dim3A_358], %gather3A_379 : memref<64x512xf32, #tpu.memory_space<vmem>>[vector<16xi32>, vector<16xi32>], vector<16xf32>,
      %add3A_383 = arith.constant 32 : i32
      %add3A_384 = vector.broadcast %add3A_383 : i32 to vector<16xi32>
      %add3A_385 = arith.addi %add3A_384, %iota3A : vector<16xi32>
      %gather3A_386 = arith.constant 2 : i32
      %gather3A_387 = arith.constant 0 : i32
      %gather3A_388 = arith.constant 0 : i32
      %gather3A_389 = tpu.memref_slice %arg6[%gather3A_386, %gather3A_387, %gather3A_388] : memref<8x64x128xf32, #tpu.memory_space<vmem>> -> memref<1x64x128xf32, #tpu.memory_space<vmem>>
      %gather3A_390 = tpu.memref_squeeze %gather3A_389 : memref<1x64x128xf32, #tpu.memory_space<vmem>> -> memref<64x128xf32, #tpu.memory_space<vmem>>
      %gather3A_391 = tpu.vector_load_idx %gather3A_390[%add3A_385, %and3A_357] : memref<64x128xf32, #tpu.memory_space<vmem>>[vector<16xi32>, vector<16xi32>], vector<16xf32>,
      %add3A_392 = arith.constant 32 : i32
      %add3A_393 = vector.broadcast %add3A_392 : i32 to vector<16xi32>
      %add3A_394 = arith.addi %add3A_393, %iota3A : vector<16xi32>
      tpu.vector_store_idx %arg7[%add3A_394, %broadcast_in_dim3A_358], %gather3A_391 : memref<64x512xf32, #tpu.memory_space<vmem>>[vector<16xi32>, vector<16xi32>], vector<16xf32>,
      %add3A_395 = arith.constant 48 : i32
      %add3A_396 = vector.broadcast %add3A_395 : i32 to vector<16xi32>
      %add3A_397 = arith.addi %add3A_396, %iota3A : vector<16xi32>
      %gather3A_398 = arith.constant 2 : i32
      %gather3A_399 = arith.constant 0 : i32
      %gather3A_400 = arith.constant 0 : i32
      %gather3A_401 = tpu.memref_slice %arg6[%gather3A_398, %gather3A_399, %gather3A_400] : memref<8x64x128xf32, #tpu.memory_space<vmem>> -> memref<1x64x128xf32, #tpu.memory_space<vmem>>
      %gather3A_402 = tpu.memref_squeeze %gather3A_401 : memref<1x64x128xf32, #tpu.memory_space<vmem>> -> memref<64x128xf32, #tpu.memory_space<vmem>>
      %gather3A_403 = tpu.vector_load_idx %gather3A_402[%add3A_397, %and3A_357] : memref<64x128xf32, #tpu.memory_space<vmem>>[vector<16xi32>, vector<16xi32>], vector<16xf32>,
      %add3A_404 = arith.constant 48 : i32
      %add3A_405 = vector.broadcast %add3A_404 : i32 to vector<16xi32>
      %add3A_406 = arith.addi %add3A_405, %iota3A : vector<16xi32>
      tpu.vector_store_idx %arg7[%add3A_406, %broadcast_in_dim3A_358], %gather3A_403 : memref<64x512xf32, #tpu.memory_space<vmem>>[vector<16xi32>, vector<16xi32>], vector<16xf32>,
      %add3A_407 = arith.constant 8 : i32
      %add3A_408 = arith.addi %add3A_337, %add3A_407 : i32
      %lt3A_409 = arith.constant 512 : i32
      %lt3A_410 = arith.cmpi slt, %add3A_408, %lt3A_409 : i32
      %convert_element_type3A_411 = arith.extui %lt3A_410 : i1 to i32
      %cond3A_412 = arith.constant 0 : i32
      %cond3A_413 = arith.cmpi ne, %convert_element_type3A_411, %cond3A_412 : i32
      scf.if %cond3A_413 {
        %broadcast_in_dim3A_814 = vector.broadcast %add3A_408 : i32 to vector<16xi32>
        %gather3A_815 = tpu.vector_load_idx %arg5[%broadcast_in_dim3A_814] : memref<512xi32, #tpu.memory_space<vmem>>[vector<16xi32>], vector<16xi32>,
        %and3A_816 = arith.constant -128 : i32
        %and3A_817 = vector.broadcast %and3A_816 : i32 to vector<16xi32>
        %and3A_818 = arith.andi %gather3A_815, %and3A_817 : vector<16xi32>
        %slice3A_819 = vector.extract_strided_slice %and3A_818 {offsets = [0], sizes = [1], strides = [1]} : vector<16xi32> to vector<1xi32>
        %squeeze3A_820 = vector.extract %slice3A_819[0] : i32 from vector<1xi32>
        %multiple_of3A_821 = tpu.assume_multiple %squeeze3A_820, 128 : i32
        %dma_start3A_822 = arith.constant 2 : i32
        %dma_start3A_823 = arith.constant 0 : i32
        %dma_start3A_824 = arith.constant 0 : i32
        %dma_start3A_825 = tpu.memref_slice %arg6[%dma_start3A_822, %dma_start3A_823, %dma_start3A_824] : memref<8x64x128xf32, #tpu.memory_space<vmem>> -> memref<1x64x128xf32, #tpu.memory_space<vmem>>
        %dma_start3A_826 = tpu.memref_squeeze %dma_start3A_825 : memref<1x64x128xf32, #tpu.memory_space<vmem>> -> memref<64x128xf32, #tpu.memory_space<vmem>>
        %dma_start3A_827 = arith.constant 0 : i32
        %dma_start3A_828 = tpu.memref_slice %arg3[%dma_start3A_827, %multiple_of3A_821] : memref<64x1000000xf32, #tpu.memory_space<hbm>> -> memref<64x128xf32, #tpu.memory_space<hbm>>
        %dma_start3A_829 = arith.constant 0 : i32
        %dma_start3A_830 = arith.constant 0 : i32
        %dma_start3A_831 = tpu.memref_slice %arg6[%dma_start3A_822, %dma_start3A_829, %dma_start3A_830] : memref<8x64x128xf32, #tpu.memory_space<vmem>> -> memref<1x64x128xf32, #tpu.memory_space<vmem>>
        %dma_start3A_832 = tpu.memref_squeeze %dma_start3A_831 : memref<1x64x128xf32, #tpu.memory_space<vmem>> -> memref<64x128xf32, #tpu.memory_space<vmem>>
        %dma_start3A_833 = arith.constant 0 : i32
        %dma_start3A_834 = tpu.memref_slice %arg3[%dma_start3A_833, %multiple_of3A_821] : memref<64x1000000xf32, #tpu.memory_space<hbm>> -> memref<64x128xf32, #tpu.memory_space<hbm>>
        tpu.enqueue_dma source(%dma_start3A_834 : memref<64x128xf32, #tpu.memory_space<hbm>>) target(%dma_start3A_832 : memref<64x128xf32, #tpu.memory_space<vmem>>) target_semaphore(%arg10 : memref<!tpu.dma_semaphore, #tpu.memory_space<semaphore_mem>>)
      } else {
      }
      %mul3A_414 = arith.constant 8 : i32
      %mul3A_415 = arith.muli %scan3A_177, %mul3A_414 : i32
      %add3A_416 = arith.constant 3 : i32
      %add3A_417 = arith.addi %mul3A_415, %add3A_416 : i32
      %dma_wait3A_418 = arith.constant 3 : i32
      %dma_wait3A_419 = arith.constant 0 : i32
      %dma_wait3A_420 = arith.constant 0 : i32
      %dma_wait3A_421 = tpu.memref_slice %arg6[%dma_wait3A_418, %dma_wait3A_419, %dma_wait3A_420] : memref<8x64x128xf32, #tpu.memory_space<vmem>> -> memref<1x64x128xf32, #tpu.memory_space<vmem>>
      %dma_wait3A_422 = tpu.memref_squeeze %dma_wait3A_421 : memref<1x64x128xf32, #tpu.memory_space<vmem>> -> memref<64x128xf32, #tpu.memory_space<vmem>>
      %dma_wait3A_423 = arith.constant 0 : i32
      %dma_wait3A_424 = arith.constant 0 : i32
      %dma_wait3A_425 = tpu.memref_slice %arg3[%dma_wait3A_423, %dma_wait3A_424] : memref<64x1000000xf32, #tpu.memory_space<hbm>> -> memref<64x128xf32, #tpu.memory_space<hbm>>
      %dma_wait3A_426 = arith.constant 0 : i32
      %dma_wait3A_427 = arith.constant 0 : i32
      %dma_wait3A_428 = tpu.memref_slice %arg6[%dma_wait3A_418, %dma_wait3A_426, %dma_wait3A_427] : memref<8x64x128xf32, #tpu.memory_space<vmem>> -> memref<1x64x128xf32, #tpu.memory_space<vmem>>
      %dma_wait3A_429 = tpu.memref_squeeze %dma_wait3A_428 : memref<1x64x128xf32, #tpu.memory_space<vmem>> -> memref<64x128xf32, #tpu.memory_space<vmem>>
      %dma_wait3A_430 = arith.constant 0 : i32
      %dma_wait3A_431 = arith.constant 0 : i32
      %dma_wait3A_432 = tpu.memref_slice %arg3[%dma_wait3A_430, %dma_wait3A_431] : memref<64x1000000xf32, #tpu.memory_space<hbm>> -> memref<64x128xf32, #tpu.memory_space<hbm>>
      tpu.wait_dma2 semaphore(%arg11 : memref<!tpu.dma_semaphore, #tpu.memory_space<semaphore_mem>>) src(%dma_wait3A_432 : memref<64x128xf32, #tpu.memory_space<hbm>>) dst(%dma_wait3A_429 : memref<64x128xf32, #tpu.memory_space<vmem>>)
      %broadcast_in_dim3A_433 = vector.broadcast %add3A_417 : i32 to vector<16xi32>
      %gather3A_434 = tpu.vector_load_idx %arg5[%broadcast_in_dim3A_433] : memref<512xi32, #tpu.memory_space<vmem>>[vector<16xi32>], vector<16xi32>,
      %and3A_435 = arith.constant 127 : i32
      %and3A_436 = vector.broadcast %and3A_435 : i32 to vector<16xi32>
      %and3A_437 = arith.andi %gather3A_434, %and3A_436 : vector<16xi32>
      %broadcast_in_dim3A_438 = vector.broadcast %add3A_417 : i32 to vector<16xi32>
      %add3A_439 = arith.constant 0 : i32
      %add3A_440 = vector.broadcast %add3A_439 : i32 to vector<16xi32>
      %add3A_441 = arith.addi %add3A_440, %iota3A : vector<16xi32>
      %gather3A_442 = arith.constant 3 : i32
      %gather3A_443 = arith.constant 0 : i32
      %gather3A_444 = arith.constant 0 : i32
      %gather3A_445 = tpu.memref_slice %arg6[%gather3A_442, %gather3A_443, %gather3A_444] : memref<8x64x128xf32, #tpu.memory_space<vmem>> -> memref<1x64x128xf32, #tpu.memory_space<vmem>>
      %gather3A_446 = tpu.memref_squeeze %gather3A_445 : memref<1x64x128xf32, #tpu.memory_space<vmem>> -> memref<64x128xf32, #tpu.memory_space<vmem>>
      %gather3A_447 = tpu.vector_load_idx %gather3A_446[%add3A_441, %and3A_437] : memref<64x128xf32, #tpu.memory_space<vmem>>[vector<16xi32>, vector<16xi32>], vector<16xf32>,
      %add3A_448 = arith.constant 0 : i32
      %add3A_449 = vector.broadcast %add3A_448 : i32 to vector<16xi32>
      %add3A_450 = arith.addi %add3A_449, %iota3A : vector<16xi32>
      tpu.vector_store_idx %arg7[%add3A_450, %broadcast_in_dim3A_438], %gather3A_447 : memref<64x512xf32, #tpu.memory_space<vmem>>[vector<16xi32>, vector<16xi32>], vector<16xf32>,
      %add3A_451 = arith.constant 16 : i32
      %add3A_452 = vector.broadcast %add3A_451 : i32 to vector<16xi32>
      %add3A_453 = arith.addi %add3A_452, %iota3A : vector<16xi32>
      %gather3A_454 = arith.constant 3 : i32
      %gather3A_455 = arith.constant 0 : i32
      %gather3A_456 = arith.constant 0 : i32
      %gather3A_457 = tpu.memref_slice %arg6[%gather3A_454, %gather3A_455, %gather3A_456] : memref<8x64x128xf32, #tpu.memory_space<vmem>> -> memref<1x64x128xf32, #tpu.memory_space<vmem>>
      %gather3A_458 = tpu.memref_squeeze %gather3A_457 : memref<1x64x128xf32, #tpu.memory_space<vmem>> -> memref<64x128xf32, #tpu.memory_space<vmem>>
      %gather3A_459 = tpu.vector_load_idx %gather3A_458[%add3A_453, %and3A_437] : memref<64x128xf32, #tpu.memory_space<vmem>>[vector<16xi32>, vector<16xi32>], vector<16xf32>,
      %add3A_460 = arith.constant 16 : i32
      %add3A_461 = vector.broadcast %add3A_460 : i32 to vector<16xi32>
      %add3A_462 = arith.addi %add3A_461, %iota3A : vector<16xi32>
      tpu.vector_store_idx %arg7[%add3A_462, %broadcast_in_dim3A_438], %gather3A_459 : memref<64x512xf32, #tpu.memory_space<vmem>>[vector<16xi32>, vector<16xi32>], vector<16xf32>,
      %add3A_463 = arith.constant 32 : i32
      %add3A_464 = vector.broadcast %add3A_463 : i32 to vector<16xi32>
      %add3A_465 = arith.addi %add3A_464, %iota3A : vector<16xi32>
      %gather3A_466 = arith.constant 3 : i32
      %gather3A_467 = arith.constant 0 : i32
      %gather3A_468 = arith.constant 0 : i32
      %gather3A_469 = tpu.memref_slice %arg6[%gather3A_466, %gather3A_467, %gather3A_468] : memref<8x64x128xf32, #tpu.memory_space<vmem>> -> memref<1x64x128xf32, #tpu.memory_space<vmem>>
      %gather3A_470 = tpu.memref_squeeze %gather3A_469 : memref<1x64x128xf32, #tpu.memory_space<vmem>> -> memref<64x128xf32, #tpu.memory_space<vmem>>
      %gather3A_471 = tpu.vector_load_idx %gather3A_470[%add3A_465, %and3A_437] : memref<64x128xf32, #tpu.memory_space<vmem>>[vector<16xi32>, vector<16xi32>], vector<16xf32>,
      %add3A_472 = arith.constant 32 : i32
      %add3A_473 = vector.broadcast %add3A_472 : i32 to vector<16xi32>
      %add3A_474 = arith.addi %add3A_473, %iota3A : vector<16xi32>
      tpu.vector_store_idx %arg7[%add3A_474, %broadcast_in_dim3A_438], %gather3A_471 : memref<64x512xf32, #tpu.memory_space<vmem>>[vector<16xi32>, vector<16xi32>], vector<16xf32>,
      %add3A_475 = arith.constant 48 : i32
      %add3A_476 = vector.broadcast %add3A_475 : i32 to vector<16xi32>
      %add3A_477 = arith.addi %add3A_476, %iota3A : vector<16xi32>
      %gather3A_478 = arith.constant 3 : i32
      %gather3A_479 = arith.constant 0 : i32
      %gather3A_480 = arith.constant 0 : i32
      %gather3A_481 = tpu.memref_slice %arg6[%gather3A_478, %gather3A_479, %gather3A_480] : memref<8x64x128xf32, #tpu.memory_space<vmem>> -> memref<1x64x128xf32, #tpu.memory_space<vmem>>
      %gather3A_482 = tpu.memref_squeeze %gather3A_481 : memref<1x64x128xf32, #tpu.memory_space<vmem>> -> memref<64x128xf32, #tpu.memory_space<vmem>>
      %gather3A_483 = tpu.vector_load_idx %gather3A_482[%add3A_477, %and3A_437] : memref<64x128xf32, #tpu.memory_space<vmem>>[vector<16xi32>, vector<16xi32>], vector<16xf32>,
      %add3A_484 = arith.constant 48 : i32
      %add3A_485 = vector.broadcast %add3A_484 : i32 to vector<16xi32>
      %add3A_486 = arith.addi %add3A_485, %iota3A : vector<16xi32>
      tpu.vector_store_idx %arg7[%add3A_486, %broadcast_in_dim3A_438], %gather3A_483 : memref<64x512xf32, #tpu.memory_space<vmem>>[vector<16xi32>, vector<16xi32>], vector<16xf32>,
      %add3A_487 = arith.constant 8 : i32
      %add3A_488 = arith.addi %add3A_417, %add3A_487 : i32
      %lt3A_489 = arith.constant 512 : i32
      %lt3A_490 = arith.cmpi slt, %add3A_488, %lt3A_489 : i32
      %convert_element_type3A_491 = arith.extui %lt3A_490 : i1 to i32
      %cond3A_492 = arith.constant 0 : i32
      %cond3A_493 = arith.cmpi ne, %convert_element_type3A_491, %cond3A_492 : i32
      scf.if %cond3A_493 {
        %broadcast_in_dim3A_814 = vector.broadcast %add3A_488 : i32 to vector<16xi32>
        %gather3A_815 = tpu.vector_load_idx %arg5[%broadcast_in_dim3A_814] : memref<512xi32, #tpu.memory_space<vmem>>[vector<16xi32>], vector<16xi32>,
        %and3A_816 = arith.constant -128 : i32
        %and3A_817 = vector.broadcast %and3A_816 : i32 to vector<16xi32>
        %and3A_818 = arith.andi %gather3A_815, %and3A_817 : vector<16xi32>
        %slice3A_819 = vector.extract_strided_slice %and3A_818 {offsets = [0], sizes = [1], strides = [1]} : vector<16xi32> to vector<1xi32>
        %squeeze3A_820 = vector.extract %slice3A_819[0] : i32 from vector<1xi32>
        %multiple_of3A_821 = tpu.assume_multiple %squeeze3A_820, 128 : i32
        %dma_start3A_822 = arith.constant 3 : i32
        %dma_start3A_823 = arith.constant 0 : i32
        %dma_start3A_824 = arith.constant 0 : i32
        %dma_start3A_825 = tpu.memref_slice %arg6[%dma_start3A_822, %dma_start3A_823, %dma_start3A_824] : memref<8x64x128xf32, #tpu.memory_space<vmem>> -> memref<1x64x128xf32, #tpu.memory_space<vmem>>
        %dma_start3A_826 = tpu.memref_squeeze %dma_start3A_825 : memref<1x64x128xf32, #tpu.memory_space<vmem>> -> memref<64x128xf32, #tpu.memory_space<vmem>>
        %dma_start3A_827 = arith.constant 0 : i32
        %dma_start3A_828 = tpu.memref_slice %arg3[%dma_start3A_827, %multiple_of3A_821] : memref<64x1000000xf32, #tpu.memory_space<hbm>> -> memref<64x128xf32, #tpu.memory_space<hbm>>
        %dma_start3A_829 = arith.constant 0 : i32
        %dma_start3A_830 = arith.constant 0 : i32
        %dma_start3A_831 = tpu.memref_slice %arg6[%dma_start3A_822, %dma_start3A_829, %dma_start3A_830] : memref<8x64x128xf32, #tpu.memory_space<vmem>> -> memref<1x64x128xf32, #tpu.memory_space<vmem>>
        %dma_start3A_832 = tpu.memref_squeeze %dma_start3A_831 : memref<1x64x128xf32, #tpu.memory_space<vmem>> -> memref<64x128xf32, #tpu.memory_space<vmem>>
        %dma_start3A_833 = arith.constant 0 : i32
        %dma_start3A_834 = tpu.memref_slice %arg3[%dma_start3A_833, %multiple_of3A_821] : memref<64x1000000xf32, #tpu.memory_space<hbm>> -> memref<64x128xf32, #tpu.memory_space<hbm>>
        tpu.enqueue_dma source(%dma_start3A_834 : memref<64x128xf32, #tpu.memory_space<hbm>>) target(%dma_start3A_832 : memref<64x128xf32, #tpu.memory_space<vmem>>) target_semaphore(%arg11 : memref<!tpu.dma_semaphore, #tpu.memory_space<semaphore_mem>>)
      } else {
      }
      %mul3A_494 = arith.constant 8 : i32
      %mul3A_495 = arith.muli %scan3A_177, %mul3A_494 : i32
      %add3A_496 = arith.constant 4 : i32
      %add3A_497 = arith.addi %mul3A_495, %add3A_496 : i32
      %dma_wait3A_498 = arith.constant 4 : i32
      %dma_wait3A_499 = arith.constant 0 : i32
      %dma_wait3A_500 = arith.constant 0 : i32
      %dma_wait3A_501 = tpu.memref_slice %arg6[%dma_wait3A_498, %dma_wait3A_499, %dma_wait3A_500] : memref<8x64x128xf32, #tpu.memory_space<vmem>> -> memref<1x64x128xf32, #tpu.memory_space<vmem>>
      %dma_wait3A_502 = tpu.memref_squeeze %dma_wait3A_501 : memref<1x64x128xf32, #tpu.memory_space<vmem>> -> memref<64x128xf32, #tpu.memory_space<vmem>>
      %dma_wait3A_503 = arith.constant 0 : i32
      %dma_wait3A_504 = arith.constant 0 : i32
      %dma_wait3A_505 = tpu.memref_slice %arg3[%dma_wait3A_503, %dma_wait3A_504] : memref<64x1000000xf32, #tpu.memory_space<hbm>> -> memref<64x128xf32, #tpu.memory_space<hbm>>
      %dma_wait3A_506 = arith.constant 0 : i32
      %dma_wait3A_507 = arith.constant 0 : i32
      %dma_wait3A_508 = tpu.memref_slice %arg6[%dma_wait3A_498, %dma_wait3A_506, %dma_wait3A_507] : memref<8x64x128xf32, #tpu.memory_space<vmem>> -> memref<1x64x128xf32, #tpu.memory_space<vmem>>
      %dma_wait3A_509 = tpu.memref_squeeze %dma_wait3A_508 : memref<1x64x128xf32, #tpu.memory_space<vmem>> -> memref<64x128xf32, #tpu.memory_space<vmem>>
      %dma_wait3A_510 = arith.constant 0 : i32
      %dma_wait3A_511 = arith.constant 0 : i32
      %dma_wait3A_512 = tpu.memref_slice %arg3[%dma_wait3A_510, %dma_wait3A_511] : memref<64x1000000xf32, #tpu.memory_space<hbm>> -> memref<64x128xf32, #tpu.memory_space<hbm>>
      tpu.wait_dma2 semaphore(%arg12 : memref<!tpu.dma_semaphore, #tpu.memory_space<semaphore_mem>>) src(%dma_wait3A_512 : memref<64x128xf32, #tpu.memory_space<hbm>>) dst(%dma_wait3A_509 : memref<64x128xf32, #tpu.memory_space<vmem>>)
      %broadcast_in_dim3A_513 = vector.broadcast %add3A_497 : i32 to vector<16xi32>
      %gather3A_514 = tpu.vector_load_idx %arg5[%broadcast_in_dim3A_513] : memref<512xi32, #tpu.memory_space<vmem>>[vector<16xi32>], vector<16xi32>,
      %and3A_515 = arith.constant 127 : i32
      %and3A_516 = vector.broadcast %and3A_515 : i32 to vector<16xi32>
      %and3A_517 = arith.andi %gather3A_514, %and3A_516 : vector<16xi32>
      %broadcast_in_dim3A_518 = vector.broadcast %add3A_497 : i32 to vector<16xi32>
      %add3A_519 = arith.constant 0 : i32
      %add3A_520 = vector.broadcast %add3A_519 : i32 to vector<16xi32>
      %add3A_521 = arith.addi %add3A_520, %iota3A : vector<16xi32>
      %gather3A_522 = arith.constant 4 : i32
      %gather3A_523 = arith.constant 0 : i32
      %gather3A_524 = arith.constant 0 : i32
      %gather3A_525 = tpu.memref_slice %arg6[%gather3A_522, %gather3A_523, %gather3A_524] : memref<8x64x128xf32, #tpu.memory_space<vmem>> -> memref<1x64x128xf32, #tpu.memory_space<vmem>>
      %gather3A_526 = tpu.memref_squeeze %gather3A_525 : memref<1x64x128xf32, #tpu.memory_space<vmem>> -> memref<64x128xf32, #tpu.memory_space<vmem>>
      %gather3A_527 = tpu.vector_load_idx %gather3A_526[%add3A_521, %and3A_517] : memref<64x128xf32, #tpu.memory_space<vmem>>[vector<16xi32>, vector<16xi32>], vector<16xf32>,
      %add3A_528 = arith.constant 0 : i32
      %add3A_529 = vector.broadcast %add3A_528 : i32 to vector<16xi32>
      %add3A_530 = arith.addi %add3A_529, %iota3A : vector<16xi32>
      tpu.vector_store_idx %arg7[%add3A_530, %broadcast_in_dim3A_518], %gather3A_527 : memref<64x512xf32, #tpu.memory_space<vmem>>[vector<16xi32>, vector<16xi32>], vector<16xf32>,
      %add3A_531 = arith.constant 16 : i32
      %add3A_532 = vector.broadcast %add3A_531 : i32 to vector<16xi32>
      %add3A_533 = arith.addi %add3A_532, %iota3A : vector<16xi32>
      %gather3A_534 = arith.constant 4 : i32
      %gather3A_535 = arith.constant 0 : i32
      %gather3A_536 = arith.constant 0 : i32
      %gather3A_537 = tpu.memref_slice %arg6[%gather3A_534, %gather3A_535, %gather3A_536] : memref<8x64x128xf32, #tpu.memory_space<vmem>> -> memref<1x64x128xf32, #tpu.memory_space<vmem>>
      %gather3A_538 = tpu.memref_squeeze %gather3A_537 : memref<1x64x128xf32, #tpu.memory_space<vmem>> -> memref<64x128xf32, #tpu.memory_space<vmem>>
      %gather3A_539 = tpu.vector_load_idx %gather3A_538[%add3A_533, %and3A_517] : memref<64x128xf32, #tpu.memory_space<vmem>>[vector<16xi32>, vector<16xi32>], vector<16xf32>,
      %add3A_540 = arith.constant 16 : i32
      %add3A_541 = vector.broadcast %add3A_540 : i32 to vector<16xi32>
      %add3A_542 = arith.addi %add3A_541, %iota3A : vector<16xi32>
      tpu.vector_store_idx %arg7[%add3A_542, %broadcast_in_dim3A_518], %gather3A_539 : memref<64x512xf32, #tpu.memory_space<vmem>>[vector<16xi32>, vector<16xi32>], vector<16xf32>,
      %add3A_543 = arith.constant 32 : i32
      %add3A_544 = vector.broadcast %add3A_543 : i32 to vector<16xi32>
      %add3A_545 = arith.addi %add3A_544, %iota3A : vector<16xi32>
      %gather3A_546 = arith.constant 4 : i32
      %gather3A_547 = arith.constant 0 : i32
      %gather3A_548 = arith.constant 0 : i32
      %gather3A_549 = tpu.memref_slice %arg6[%gather3A_546, %gather3A_547, %gather3A_548] : memref<8x64x128xf32, #tpu.memory_space<vmem>> -> memref<1x64x128xf32, #tpu.memory_space<vmem>>
      %gather3A_550 = tpu.memref_squeeze %gather3A_549 : memref<1x64x128xf32, #tpu.memory_space<vmem>> -> memref<64x128xf32, #tpu.memory_space<vmem>>
      %gather3A_551 = tpu.vector_load_idx %gather3A_550[%add3A_545, %and3A_517] : memref<64x128xf32, #tpu.memory_space<vmem>>[vector<16xi32>, vector<16xi32>], vector<16xf32>,
      %add3A_552 = arith.constant 32 : i32
      %add3A_553 = vector.broadcast %add3A_552 : i32 to vector<16xi32>
      %add3A_554 = arith.addi %add3A_553, %iota3A : vector<16xi32>
      tpu.vector_store_idx %arg7[%add3A_554, %broadcast_in_dim3A_518], %gather3A_551 : memref<64x512xf32, #tpu.memory_space<vmem>>[vector<16xi32>, vector<16xi32>], vector<16xf32>,
      %add3A_555 = arith.constant 48 : i32
      %add3A_556 = vector.broadcast %add3A_555 : i32 to vector<16xi32>
      %add3A_557 = arith.addi %add3A_556, %iota3A : vector<16xi32>
      %gather3A_558 = arith.constant 4 : i32
      %gather3A_559 = arith.constant 0 : i32
      %gather3A_560 = arith.constant 0 : i32
      %gather3A_561 = tpu.memref_slice %arg6[%gather3A_558, %gather3A_559, %gather3A_560] : memref<8x64x128xf32, #tpu.memory_space<vmem>> -> memref<1x64x128xf32, #tpu.memory_space<vmem>>
      %gather3A_562 = tpu.memref_squeeze %gather3A_561 : memref<1x64x128xf32, #tpu.memory_space<vmem>> -> memref<64x128xf32, #tpu.memory_space<vmem>>
      %gather3A_563 = tpu.vector_load_idx %gather3A_562[%add3A_557, %and3A_517] : memref<64x128xf32, #tpu.memory_space<vmem>>[vector<16xi32>, vector<16xi32>], vector<16xf32>,
      %add3A_564 = arith.constant 48 : i32
      %add3A_565 = vector.broadcast %add3A_564 : i32 to vector<16xi32>
      %add3A_566 = arith.addi %add3A_565, %iota3A : vector<16xi32>
      tpu.vector_store_idx %arg7[%add3A_566, %broadcast_in_dim3A_518], %gather3A_563 : memref<64x512xf32, #tpu.memory_space<vmem>>[vector<16xi32>, vector<16xi32>], vector<16xf32>,
      %add3A_567 = arith.constant 8 : i32
      %add3A_568 = arith.addi %add3A_497, %add3A_567 : i32
      %lt3A_569 = arith.constant 512 : i32
      %lt3A_570 = arith.cmpi slt, %add3A_568, %lt3A_569 : i32
      %convert_element_type3A_571 = arith.extui %lt3A_570 : i1 to i32
      %cond3A_572 = arith.constant 0 : i32
      %cond3A_573 = arith.cmpi ne, %convert_element_type3A_571, %cond3A_572 : i32
      scf.if %cond3A_573 {
        %broadcast_in_dim3A_814 = vector.broadcast %add3A_568 : i32 to vector<16xi32>
        %gather3A_815 = tpu.vector_load_idx %arg5[%broadcast_in_dim3A_814] : memref<512xi32, #tpu.memory_space<vmem>>[vector<16xi32>], vector<16xi32>,
        %and3A_816 = arith.constant -128 : i32
        %and3A_817 = vector.broadcast %and3A_816 : i32 to vector<16xi32>
        %and3A_818 = arith.andi %gather3A_815, %and3A_817 : vector<16xi32>
        %slice3A_819 = vector.extract_strided_slice %and3A_818 {offsets = [0], sizes = [1], strides = [1]} : vector<16xi32> to vector<1xi32>
        %squeeze3A_820 = vector.extract %slice3A_819[0] : i32 from vector<1xi32>
        %multiple_of3A_821 = tpu.assume_multiple %squeeze3A_820, 128 : i32
        %dma_start3A_822 = arith.constant 4 : i32
        %dma_start3A_823 = arith.constant 0 : i32
        %dma_start3A_824 = arith.constant 0 : i32
        %dma_start3A_825 = tpu.memref_slice %arg6[%dma_start3A_822, %dma_start3A_823, %dma_start3A_824] : memref<8x64x128xf32, #tpu.memory_space<vmem>> -> memref<1x64x128xf32, #tpu.memory_space<vmem>>
        %dma_start3A_826 = tpu.memref_squeeze %dma_start3A_825 : memref<1x64x128xf32, #tpu.memory_space<vmem>> -> memref<64x128xf32, #tpu.memory_space<vmem>>
        %dma_start3A_827 = arith.constant 0 : i32
        %dma_start3A_828 = tpu.memref_slice %arg3[%dma_start3A_827, %multiple_of3A_821] : memref<64x1000000xf32, #tpu.memory_space<hbm>> -> memref<64x128xf32, #tpu.memory_space<hbm>>
        %dma_start3A_829 = arith.constant 0 : i32
        %dma_start3A_830 = arith.constant 0 : i32
        %dma_start3A_831 = tpu.memref_slice %arg6[%dma_start3A_822, %dma_start3A_829, %dma_start3A_830] : memref<8x64x128xf32, #tpu.memory_space<vmem>> -> memref<1x64x128xf32, #tpu.memory_space<vmem>>
        %dma_start3A_832 = tpu.memref_squeeze %dma_start3A_831 : memref<1x64x128xf32, #tpu.memory_space<vmem>> -> memref<64x128xf32, #tpu.memory_space<vmem>>
        %dma_start3A_833 = arith.constant 0 : i32
        %dma_start3A_834 = tpu.memref_slice %arg3[%dma_start3A_833, %multiple_of3A_821] : memref<64x1000000xf32, #tpu.memory_space<hbm>> -> memref<64x128xf32, #tpu.memory_space<hbm>>
        tpu.enqueue_dma source(%dma_start3A_834 : memref<64x128xf32, #tpu.memory_space<hbm>>) target(%dma_start3A_832 : memref<64x128xf32, #tpu.memory_space<vmem>>) target_semaphore(%arg12 : memref<!tpu.dma_semaphore, #tpu.memory_space<semaphore_mem>>)
      } else {
      }
      %mul3A_574 = arith.constant 8 : i32
      %mul3A_575 = arith.muli %scan3A_177, %mul3A_574 : i32
      %add3A_576 = arith.constant 5 : i32
      %add3A_577 = arith.addi %mul3A_575, %add3A_576 : i32
      %dma_wait3A_578 = arith.constant 5 : i32
      %dma_wait3A_579 = arith.constant 0 : i32
      %dma_wait3A_580 = arith.constant 0 : i32
      %dma_wait3A_581 = tpu.memref_slice %arg6[%dma_wait3A_578, %dma_wait3A_579, %dma_wait3A_580] : memref<8x64x128xf32, #tpu.memory_space<vmem>> -> memref<1x64x128xf32, #tpu.memory_space<vmem>>
      %dma_wait3A_582 = tpu.memref_squeeze %dma_wait3A_581 : memref<1x64x128xf32, #tpu.memory_space<vmem>> -> memref<64x128xf32, #tpu.memory_space<vmem>>
      %dma_wait3A_583 = arith.constant 0 : i32
      %dma_wait3A_584 = arith.constant 0 : i32
      %dma_wait3A_585 = tpu.memref_slice %arg3[%dma_wait3A_583, %dma_wait3A_584] : memref<64x1000000xf32, #tpu.memory_space<hbm>> -> memref<64x128xf32, #tpu.memory_space<hbm>>
      %dma_wait3A_586 = arith.constant 0 : i32
      %dma_wait3A_587 = arith.constant 0 : i32
      %dma_wait3A_588 = tpu.memref_slice %arg6[%dma_wait3A_578, %dma_wait3A_586, %dma_wait3A_587] : memref<8x64x128xf32, #tpu.memory_space<vmem>> -> memref<1x64x128xf32, #tpu.memory_space<vmem>>
      %dma_wait3A_589 = tpu.memref_squeeze %dma_wait3A_588 : memref<1x64x128xf32, #tpu.memory_space<vmem>> -> memref<64x128xf32, #tpu.memory_space<vmem>>
      %dma_wait3A_590 = arith.constant 0 : i32
      %dma_wait3A_591 = arith.constant 0 : i32
      %dma_wait3A_592 = tpu.memref_slice %arg3[%dma_wait3A_590, %dma_wait3A_591] : memref<64x1000000xf32, #tpu.memory_space<hbm>> -> memref<64x128xf32, #tpu.memory_space<hbm>>
      tpu.wait_dma2 semaphore(%arg13 : memref<!tpu.dma_semaphore, #tpu.memory_space<semaphore_mem>>) src(%dma_wait3A_592 : memref<64x128xf32, #tpu.memory_space<hbm>>) dst(%dma_wait3A_589 : memref<64x128xf32, #tpu.memory_space<vmem>>)
      %broadcast_in_dim3A_593 = vector.broadcast %add3A_577 : i32 to vector<16xi32>
      %gather3A_594 = tpu.vector_load_idx %arg5[%broadcast_in_dim3A_593] : memref<512xi32, #tpu.memory_space<vmem>>[vector<16xi32>], vector<16xi32>,
      %and3A_595 = arith.constant 127 : i32
      %and3A_596 = vector.broadcast %and3A_595 : i32 to vector<16xi32>
      %and3A_597 = arith.andi %gather3A_594, %and3A_596 : vector<16xi32>
      %broadcast_in_dim3A_598 = vector.broadcast %add3A_577 : i32 to vector<16xi32>
      %add3A_599 = arith.constant 0 : i32
      %add3A_600 = vector.broadcast %add3A_599 : i32 to vector<16xi32>
      %add3A_601 = arith.addi %add3A_600, %iota3A : vector<16xi32>
      %gather3A_602 = arith.constant 5 : i32
      %gather3A_603 = arith.constant 0 : i32
      %gather3A_604 = arith.constant 0 : i32
      %gather3A_605 = tpu.memref_slice %arg6[%gather3A_602, %gather3A_603, %gather3A_604] : memref<8x64x128xf32, #tpu.memory_space<vmem>> -> memref<1x64x128xf32, #tpu.memory_space<vmem>>
      %gather3A_606 = tpu.memref_squeeze %gather3A_605 : memref<1x64x128xf32, #tpu.memory_space<vmem>> -> memref<64x128xf32, #tpu.memory_space<vmem>>
      %gather3A_607 = tpu.vector_load_idx %gather3A_606[%add3A_601, %and3A_597] : memref<64x128xf32, #tpu.memory_space<vmem>>[vector<16xi32>, vector<16xi32>], vector<16xf32>,
      %add3A_608 = arith.constant 0 : i32
      %add3A_609 = vector.broadcast %add3A_608 : i32 to vector<16xi32>
      %add3A_610 = arith.addi %add3A_609, %iota3A : vector<16xi32>
      tpu.vector_store_idx %arg7[%add3A_610, %broadcast_in_dim3A_598], %gather3A_607 : memref<64x512xf32, #tpu.memory_space<vmem>>[vector<16xi32>, vector<16xi32>], vector<16xf32>,
      %add3A_611 = arith.constant 16 : i32
      %add3A_612 = vector.broadcast %add3A_611 : i32 to vector<16xi32>
      %add3A_613 = arith.addi %add3A_612, %iota3A : vector<16xi32>
      %gather3A_614 = arith.constant 5 : i32
      %gather3A_615 = arith.constant 0 : i32
      %gather3A_616 = arith.constant 0 : i32
      %gather3A_617 = tpu.memref_slice %arg6[%gather3A_614, %gather3A_615, %gather3A_616] : memref<8x64x128xf32, #tpu.memory_space<vmem>> -> memref<1x64x128xf32, #tpu.memory_space<vmem>>
      %gather3A_618 = tpu.memref_squeeze %gather3A_617 : memref<1x64x128xf32, #tpu.memory_space<vmem>> -> memref<64x128xf32, #tpu.memory_space<vmem>>
      %gather3A_619 = tpu.vector_load_idx %gather3A_618[%add3A_613, %and3A_597] : memref<64x128xf32, #tpu.memory_space<vmem>>[vector<16xi32>, vector<16xi32>], vector<16xf32>,
      %add3A_620 = arith.constant 16 : i32
      %add3A_621 = vector.broadcast %add3A_620 : i32 to vector<16xi32>
      %add3A_622 = arith.addi %add3A_621, %iota3A : vector<16xi32>
      tpu.vector_store_idx %arg7[%add3A_622, %broadcast_in_dim3A_598], %gather3A_619 : memref<64x512xf32, #tpu.memory_space<vmem>>[vector<16xi32>, vector<16xi32>], vector<16xf32>,
      %add3A_623 = arith.constant 32 : i32
      %add3A_624 = vector.broadcast %add3A_623 : i32 to vector<16xi32>
      %add3A_625 = arith.addi %add3A_624, %iota3A : vector<16xi32>
      %gather3A_626 = arith.constant 5 : i32
      %gather3A_627 = arith.constant 0 : i32
      %gather3A_628 = arith.constant 0 : i32
      %gather3A_629 = tpu.memref_slice %arg6[%gather3A_626, %gather3A_627, %gather3A_628] : memref<8x64x128xf32, #tpu.memory_space<vmem>> -> memref<1x64x128xf32, #tpu.memory_space<vmem>>
      %gather3A_630 = tpu.memref_squeeze %gather3A_629 : memref<1x64x128xf32, #tpu.memory_space<vmem>> -> memref<64x128xf32, #tpu.memory_space<vmem>>
      %gather3A_631 = tpu.vector_load_idx %gather3A_630[%add3A_625, %and3A_597] : memref<64x128xf32, #tpu.memory_space<vmem>>[vector<16xi32>, vector<16xi32>], vector<16xf32>,
      %add3A_632 = arith.constant 32 : i32
      %add3A_633 = vector.broadcast %add3A_632 : i32 to vector<16xi32>
      %add3A_634 = arith.addi %add3A_633, %iota3A : vector<16xi32>
      tpu.vector_store_idx %arg7[%add3A_634, %broadcast_in_dim3A_598], %gather3A_631 : memref<64x512xf32, #tpu.memory_space<vmem>>[vector<16xi32>, vector<16xi32>], vector<16xf32>,
      %add3A_635 = arith.constant 48 : i32
      %add3A_636 = vector.broadcast %add3A_635 : i32 to vector<16xi32>
      %add3A_637 = arith.addi %add3A_636, %iota3A : vector<16xi32>
      %gather3A_638 = arith.constant 5 : i32
      %gather3A_639 = arith.constant 0 : i32
      %gather3A_640 = arith.constant 0 : i32
      %gather3A_641 = tpu.memref_slice %arg6[%gather3A_638, %gather3A_639, %gather3A_640] : memref<8x64x128xf32, #tpu.memory_space<vmem>> -> memref<1x64x128xf32, #tpu.memory_space<vmem>>
      %gather3A_642 = tpu.memref_squeeze %gather3A_641 : memref<1x64x128xf32, #tpu.memory_space<vmem>> -> memref<64x128xf32, #tpu.memory_space<vmem>>
      %gather3A_643 = tpu.vector_load_idx %gather3A_642[%add3A_637, %and3A_597] : memref<64x128xf32, #tpu.memory_space<vmem>>[vector<16xi32>, vector<16xi32>], vector<16xf32>,
      %add3A_644 = arith.constant 48 : i32
      %add3A_645 = vector.broadcast %add3A_644 : i32 to vector<16xi32>
      %add3A_646 = arith.addi %add3A_645, %iota3A : vector<16xi32>
      tpu.vector_store_idx %arg7[%add3A_646, %broadcast_in_dim3A_598], %gather3A_643 : memref<64x512xf32, #tpu.memory_space<vmem>>[vector<16xi32>, vector<16xi32>], vector<16xf32>,
      %add3A_647 = arith.constant 8 : i32
      %add3A_648 = arith.addi %add3A_577, %add3A_647 : i32
      %lt3A_649 = arith.constant 512 : i32
      %lt3A_650 = arith.cmpi slt, %add3A_648, %lt3A_649 : i32
      %convert_element_type3A_651 = arith.extui %lt3A_650 : i1 to i32
      %cond3A_652 = arith.constant 0 : i32
      %cond3A_653 = arith.cmpi ne, %convert_element_type3A_651, %cond3A_652 : i32
      scf.if %cond3A_653 {
        %broadcast_in_dim3A_814 = vector.broadcast %add3A_648 : i32 to vector<16xi32>
        %gather3A_815 = tpu.vector_load_idx %arg5[%broadcast_in_dim3A_814] : memref<512xi32, #tpu.memory_space<vmem>>[vector<16xi32>], vector<16xi32>,
        %and3A_816 = arith.constant -128 : i32
        %and3A_817 = vector.broadcast %and3A_816 : i32 to vector<16xi32>
        %and3A_818 = arith.andi %gather3A_815, %and3A_817 : vector<16xi32>
        %slice3A_819 = vector.extract_strided_slice %and3A_818 {offsets = [0], sizes = [1], strides = [1]} : vector<16xi32> to vector<1xi32>
        %squeeze3A_820 = vector.extract %slice3A_819[0] : i32 from vector<1xi32>
        %multiple_of3A_821 = tpu.assume_multiple %squeeze3A_820, 128 : i32
        %dma_start3A_822 = arith.constant 5 : i32
        %dma_start3A_823 = arith.constant 0 : i32
        %dma_start3A_824 = arith.constant 0 : i32
        %dma_start3A_825 = tpu.memref_slice %arg6[%dma_start3A_822, %dma_start3A_823, %dma_start3A_824] : memref<8x64x128xf32, #tpu.memory_space<vmem>> -> memref<1x64x128xf32, #tpu.memory_space<vmem>>
        %dma_start3A_826 = tpu.memref_squeeze %dma_start3A_825 : memref<1x64x128xf32, #tpu.memory_space<vmem>> -> memref<64x128xf32, #tpu.memory_space<vmem>>
        %dma_start3A_827 = arith.constant 0 : i32
        %dma_start3A_828 = tpu.memref_slice %arg3[%dma_start3A_827, %multiple_of3A_821] : memref<64x1000000xf32, #tpu.memory_space<hbm>> -> memref<64x128xf32, #tpu.memory_space<hbm>>
        %dma_start3A_829 = arith.constant 0 : i32
        %dma_start3A_830 = arith.constant 0 : i32
        %dma_start3A_831 = tpu.memref_slice %arg6[%dma_start3A_822, %dma_start3A_829, %dma_start3A_830] : memref<8x64x128xf32, #tpu.memory_space<vmem>> -> memref<1x64x128xf32, #tpu.memory_space<vmem>>
        %dma_start3A_832 = tpu.memref_squeeze %dma_start3A_831 : memref<1x64x128xf32, #tpu.memory_space<vmem>> -> memref<64x128xf32, #tpu.memory_space<vmem>>
        %dma_start3A_833 = arith.constant 0 : i32
        %dma_start3A_834 = tpu.memref_slice %arg3[%dma_start3A_833, %multiple_of3A_821] : memref<64x1000000xf32, #tpu.memory_space<hbm>> -> memref<64x128xf32, #tpu.memory_space<hbm>>
        tpu.enqueue_dma source(%dma_start3A_834 : memref<64x128xf32, #tpu.memory_space<hbm>>) target(%dma_start3A_832 : memref<64x128xf32, #tpu.memory_space<vmem>>) target_semaphore(%arg13 : memref<!tpu.dma_semaphore, #tpu.memory_space<semaphore_mem>>)
      } else {
      }
      %mul3A_654 = arith.constant 8 : i32
      %mul3A_655 = arith.muli %scan3A_177, %mul3A_654 : i32
      %add3A_656 = arith.constant 6 : i32
      %add3A_657 = arith.addi %mul3A_655, %add3A_656 : i32
      %dma_wait3A_658 = arith.constant 6 : i32
      %dma_wait3A_659 = arith.constant 0 : i32
      %dma_wait3A_660 = arith.constant 0 : i32
      %dma_wait3A_661 = tpu.memref_slice %arg6[%dma_wait3A_658, %dma_wait3A_659, %dma_wait3A_660] : memref<8x64x128xf32, #tpu.memory_space<vmem>> -> memref<1x64x128xf32, #tpu.memory_space<vmem>>
      %dma_wait3A_662 = tpu.memref_squeeze %dma_wait3A_661 : memref<1x64x128xf32, #tpu.memory_space<vmem>> -> memref<64x128xf32, #tpu.memory_space<vmem>>
      %dma_wait3A_663 = arith.constant 0 : i32
      %dma_wait3A_664 = arith.constant 0 : i32
      %dma_wait3A_665 = tpu.memref_slice %arg3[%dma_wait3A_663, %dma_wait3A_664] : memref<64x1000000xf32, #tpu.memory_space<hbm>> -> memref<64x128xf32, #tpu.memory_space<hbm>>
      %dma_wait3A_666 = arith.constant 0 : i32
      %dma_wait3A_667 = arith.constant 0 : i32
      %dma_wait3A_668 = tpu.memref_slice %arg6[%dma_wait3A_658, %dma_wait3A_666, %dma_wait3A_667] : memref<8x64x128xf32, #tpu.memory_space<vmem>> -> memref<1x64x128xf32, #tpu.memory_space<vmem>>
      %dma_wait3A_669 = tpu.memref_squeeze %dma_wait3A_668 : memref<1x64x128xf32, #tpu.memory_space<vmem>> -> memref<64x128xf32, #tpu.memory_space<vmem>>
      %dma_wait3A_670 = arith.constant 0 : i32
      %dma_wait3A_671 = arith.constant 0 : i32
      %dma_wait3A_672 = tpu.memref_slice %arg3[%dma_wait3A_670, %dma_wait3A_671] : memref<64x1000000xf32, #tpu.memory_space<hbm>> -> memref<64x128xf32, #tpu.memory_space<hbm>>
      tpu.wait_dma2 semaphore(%arg14 : memref<!tpu.dma_semaphore, #tpu.memory_space<semaphore_mem>>) src(%dma_wait3A_672 : memref<64x128xf32, #tpu.memory_space<hbm>>) dst(%dma_wait3A_669 : memref<64x128xf32, #tpu.memory_space<vmem>>)
      %broadcast_in_dim3A_673 = vector.broadcast %add3A_657 : i32 to vector<16xi32>
      %gather3A_674 = tpu.vector_load_idx %arg5[%broadcast_in_dim3A_673] : memref<512xi32, #tpu.memory_space<vmem>>[vector<16xi32>], vector<16xi32>,
      %and3A_675 = arith.constant 127 : i32
      %and3A_676 = vector.broadcast %and3A_675 : i32 to vector<16xi32>
      %and3A_677 = arith.andi %gather3A_674, %and3A_676 : vector<16xi32>
      %broadcast_in_dim3A_678 = vector.broadcast %add3A_657 : i32 to vector<16xi32>
      %add3A_679 = arith.constant 0 : i32
      %add3A_680 = vector.broadcast %add3A_679 : i32 to vector<16xi32>
      %add3A_681 = arith.addi %add3A_680, %iota3A : vector<16xi32>
      %gather3A_682 = arith.constant 6 : i32
      %gather3A_683 = arith.constant 0 : i32
      %gather3A_684 = arith.constant 0 : i32
      %gather3A_685 = tpu.memref_slice %arg6[%gather3A_682, %gather3A_683, %gather3A_684] : memref<8x64x128xf32, #tpu.memory_space<vmem>> -> memref<1x64x128xf32, #tpu.memory_space<vmem>>
      %gather3A_686 = tpu.memref_squeeze %gather3A_685 : memref<1x64x128xf32, #tpu.memory_space<vmem>> -> memref<64x128xf32, #tpu.memory_space<vmem>>
      %gather3A_687 = tpu.vector_load_idx %gather3A_686[%add3A_681, %and3A_677] : memref<64x128xf32, #tpu.memory_space<vmem>>[vector<16xi32>, vector<16xi32>], vector<16xf32>,
      %add3A_688 = arith.constant 0 : i32
      %add3A_689 = vector.broadcast %add3A_688 : i32 to vector<16xi32>
      %add3A_690 = arith.addi %add3A_689, %iota3A : vector<16xi32>
      tpu.vector_store_idx %arg7[%add3A_690, %broadcast_in_dim3A_678], %gather3A_687 : memref<64x512xf32, #tpu.memory_space<vmem>>[vector<16xi32>, vector<16xi32>], vector<16xf32>,
      %add3A_691 = arith.constant 16 : i32
      %add3A_692 = vector.broadcast %add3A_691 : i32 to vector<16xi32>
      %add3A_693 = arith.addi %add3A_692, %iota3A : vector<16xi32>
      %gather3A_694 = arith.constant 6 : i32
      %gather3A_695 = arith.constant 0 : i32
      %gather3A_696 = arith.constant 0 : i32
      %gather3A_697 = tpu.memref_slice %arg6[%gather3A_694, %gather3A_695, %gather3A_696] : memref<8x64x128xf32, #tpu.memory_space<vmem>> -> memref<1x64x128xf32, #tpu.memory_space<vmem>>
      %gather3A_698 = tpu.memref_squeeze %gather3A_697 : memref<1x64x128xf32, #tpu.memory_space<vmem>> -> memref<64x128xf32, #tpu.memory_space<vmem>>
      %gather3A_699 = tpu.vector_load_idx %gather3A_698[%add3A_693, %and3A_677] : memref<64x128xf32, #tpu.memory_space<vmem>>[vector<16xi32>, vector<16xi32>], vector<16xf32>,
      %add3A_700 = arith.constant 16 : i32
      %add3A_701 = vector.broadcast %add3A_700 : i32 to vector<16xi32>
      %add3A_702 = arith.addi %add3A_701, %iota3A : vector<16xi32>
      tpu.vector_store_idx %arg7[%add3A_702, %broadcast_in_dim3A_678], %gather3A_699 : memref<64x512xf32, #tpu.memory_space<vmem>>[vector<16xi32>, vector<16xi32>], vector<16xf32>,
      %add3A_703 = arith.constant 32 : i32
      %add3A_704 = vector.broadcast %add3A_703 : i32 to vector<16xi32>
      %add3A_705 = arith.addi %add3A_704, %iota3A : vector<16xi32>
      %gather3A_706 = arith.constant 6 : i32
      %gather3A_707 = arith.constant 0 : i32
      %gather3A_708 = arith.constant 0 : i32
      %gather3A_709 = tpu.memref_slice %arg6[%gather3A_706, %gather3A_707, %gather3A_708] : memref<8x64x128xf32, #tpu.memory_space<vmem>> -> memref<1x64x128xf32, #tpu.memory_space<vmem>>
      %gather3A_710 = tpu.memref_squeeze %gather3A_709 : memref<1x64x128xf32, #tpu.memory_space<vmem>> -> memref<64x128xf32, #tpu.memory_space<vmem>>
      %gather3A_711 = tpu.vector_load_idx %gather3A_710[%add3A_705, %and3A_677] : memref<64x128xf32, #tpu.memory_space<vmem>>[vector<16xi32>, vector<16xi32>], vector<16xf32>,
      %add3A_712 = arith.constant 32 : i32
      %add3A_713 = vector.broadcast %add3A_712 : i32 to vector<16xi32>
      %add3A_714 = arith.addi %add3A_713, %iota3A : vector<16xi32>
      tpu.vector_store_idx %arg7[%add3A_714, %broadcast_in_dim3A_678], %gather3A_711 : memref<64x512xf32, #tpu.memory_space<vmem>>[vector<16xi32>, vector<16xi32>], vector<16xf32>,
      %add3A_715 = arith.constant 48 : i32
      %add3A_716 = vector.broadcast %add3A_715 : i32 to vector<16xi32>
      %add3A_717 = arith.addi %add3A_716, %iota3A : vector<16xi32>
      %gather3A_718 = arith.constant 6 : i32
      %gather3A_719 = arith.constant 0 : i32
      %gather3A_720 = arith.constant 0 : i32
      %gather3A_721 = tpu.memref_slice %arg6[%gather3A_718, %gather3A_719, %gather3A_720] : memref<8x64x128xf32, #tpu.memory_space<vmem>> -> memref<1x64x128xf32, #tpu.memory_space<vmem>>
      %gather3A_722 = tpu.memref_squeeze %gather3A_721 : memref<1x64x128xf32, #tpu.memory_space<vmem>> -> memref<64x128xf32, #tpu.memory_space<vmem>>
      %gather3A_723 = tpu.vector_load_idx %gather3A_722[%add3A_717, %and3A_677] : memref<64x128xf32, #tpu.memory_space<vmem>>[vector<16xi32>, vector<16xi32>], vector<16xf32>,
      %add3A_724 = arith.constant 48 : i32
      %add3A_725 = vector.broadcast %add3A_724 : i32 to vector<16xi32>
      %add3A_726 = arith.addi %add3A_725, %iota3A : vector<16xi32>
      tpu.vector_store_idx %arg7[%add3A_726, %broadcast_in_dim3A_678], %gather3A_723 : memref<64x512xf32, #tpu.memory_space<vmem>>[vector<16xi32>, vector<16xi32>], vector<16xf32>,
      %add3A_727 = arith.constant 8 : i32
      %add3A_728 = arith.addi %add3A_657, %add3A_727 : i32
      %lt3A_729 = arith.constant 512 : i32
      %lt3A_730 = arith.cmpi slt, %add3A_728, %lt3A_729 : i32
      %convert_element_type3A_731 = arith.extui %lt3A_730 : i1 to i32
      %cond3A_732 = arith.constant 0 : i32
      %cond3A_733 = arith.cmpi ne, %convert_element_type3A_731, %cond3A_732 : i32
      scf.if %cond3A_733 {
        %broadcast_in_dim3A_814 = vector.broadcast %add3A_728 : i32 to vector<16xi32>
        %gather3A_815 = tpu.vector_load_idx %arg5[%broadcast_in_dim3A_814] : memref<512xi32, #tpu.memory_space<vmem>>[vector<16xi32>], vector<16xi32>,
        %and3A_816 = arith.constant -128 : i32
        %and3A_817 = vector.broadcast %and3A_816 : i32 to vector<16xi32>
        %and3A_818 = arith.andi %gather3A_815, %and3A_817 : vector<16xi32>
        %slice3A_819 = vector.extract_strided_slice %and3A_818 {offsets = [0], sizes = [1], strides = [1]} : vector<16xi32> to vector<1xi32>
        %squeeze3A_820 = vector.extract %slice3A_819[0] : i32 from vector<1xi32>
        %multiple_of3A_821 = tpu.assume_multiple %squeeze3A_820, 128 : i32
        %dma_start3A_822 = arith.constant 6 : i32
        %dma_start3A_823 = arith.constant 0 : i32
        %dma_start3A_824 = arith.constant 0 : i32
        %dma_start3A_825 = tpu.memref_slice %arg6[%dma_start3A_822, %dma_start3A_823, %dma_start3A_824] : memref<8x64x128xf32, #tpu.memory_space<vmem>> -> memref<1x64x128xf32, #tpu.memory_space<vmem>>
        %dma_start3A_826 = tpu.memref_squeeze %dma_start3A_825 : memref<1x64x128xf32, #tpu.memory_space<vmem>> -> memref<64x128xf32, #tpu.memory_space<vmem>>
        %dma_start3A_827 = arith.constant 0 : i32
        %dma_start3A_828 = tpu.memref_slice %arg3[%dma_start3A_827, %multiple_of3A_821] : memref<64x1000000xf32, #tpu.memory_space<hbm>> -> memref<64x128xf32, #tpu.memory_space<hbm>>
        %dma_start3A_829 = arith.constant 0 : i32
        %dma_start3A_830 = arith.constant 0 : i32
        %dma_start3A_831 = tpu.memref_slice %arg6[%dma_start3A_822, %dma_start3A_829, %dma_start3A_830] : memref<8x64x128xf32, #tpu.memory_space<vmem>> -> memref<1x64x128xf32, #tpu.memory_space<vmem>>
        %dma_start3A_832 = tpu.memref_squeeze %dma_start3A_831 : memref<1x64x128xf32, #tpu.memory_space<vmem>> -> memref<64x128xf32, #tpu.memory_space<vmem>>
        %dma_start3A_833 = arith.constant 0 : i32
        %dma_start3A_834 = tpu.memref_slice %arg3[%dma_start3A_833, %multiple_of3A_821] : memref<64x1000000xf32, #tpu.memory_space<hbm>> -> memref<64x128xf32, #tpu.memory_space<hbm>>
        tpu.enqueue_dma source(%dma_start3A_834 : memref<64x128xf32, #tpu.memory_space<hbm>>) target(%dma_start3A_832 : memref<64x128xf32, #tpu.memory_space<vmem>>) target_semaphore(%arg14 : memref<!tpu.dma_semaphore, #tpu.memory_space<semaphore_mem>>)
      } else {
      }
      %mul3A_734 = arith.constant 8 : i32
      %mul3A_735 = arith.muli %scan3A_177, %mul3A_734 : i32
      %add3A_736 = arith.constant 7 : i32
      %add3A_737 = arith.addi %mul3A_735, %add3A_736 : i32
      %dma_wait3A_738 = arith.constant 7 : i32
      %dma_wait3A_739 = arith.constant 0 : i32
      %dma_wait3A_740 = arith.constant 0 : i32
      %dma_wait3A_741 = tpu.memref_slice %arg6[%dma_wait3A_738, %dma_wait3A_739, %dma_wait3A_740] : memref<8x64x128xf32, #tpu.memory_space<vmem>> -> memref<1x64x128xf32, #tpu.memory_space<vmem>>
      %dma_wait3A_742 = tpu.memref_squeeze %dma_wait3A_741 : memref<1x64x128xf32, #tpu.memory_space<vmem>> -> memref<64x128xf32, #tpu.memory_space<vmem>>
      %dma_wait3A_743 = arith.constant 0 : i32
      %dma_wait3A_744 = arith.constant 0 : i32
      %dma_wait3A_745 = tpu.memref_slice %arg3[%dma_wait3A_743, %dma_wait3A_744] : memref<64x1000000xf32, #tpu.memory_space<hbm>> -> memref<64x128xf32, #tpu.memory_space<hbm>>
      %dma_wait3A_746 = arith.constant 0 : i32
      %dma_wait3A_747 = arith.constant 0 : i32
      %dma_wait3A_748 = tpu.memref_slice %arg6[%dma_wait3A_738, %dma_wait3A_746, %dma_wait3A_747] : memref<8x64x128xf32, #tpu.memory_space<vmem>> -> memref<1x64x128xf32, #tpu.memory_space<vmem>>
      %dma_wait3A_749 = tpu.memref_squeeze %dma_wait3A_748 : memref<1x64x128xf32, #tpu.memory_space<vmem>> -> memref<64x128xf32, #tpu.memory_space<vmem>>
      %dma_wait3A_750 = arith.constant 0 : i32
      %dma_wait3A_751 = arith.constant 0 : i32
      %dma_wait3A_752 = tpu.memref_slice %arg3[%dma_wait3A_750, %dma_wait3A_751] : memref<64x1000000xf32, #tpu.memory_space<hbm>> -> memref<64x128xf32, #tpu.memory_space<hbm>>
      tpu.wait_dma2 semaphore(%arg15 : memref<!tpu.dma_semaphore, #tpu.memory_space<semaphore_mem>>) src(%dma_wait3A_752 : memref<64x128xf32, #tpu.memory_space<hbm>>) dst(%dma_wait3A_749 : memref<64x128xf32, #tpu.memory_space<vmem>>)
      %broadcast_in_dim3A_753 = vector.broadcast %add3A_737 : i32 to vector<16xi32>
      %gather3A_754 = tpu.vector_load_idx %arg5[%broadcast_in_dim3A_753] : memref<512xi32, #tpu.memory_space<vmem>>[vector<16xi32>], vector<16xi32>,
      %and3A_755 = arith.constant 127 : i32
      %and3A_756 = vector.broadcast %and3A_755 : i32 to vector<16xi32>
      %and3A_757 = arith.andi %gather3A_754, %and3A_756 : vector<16xi32>
      %broadcast_in_dim3A_758 = vector.broadcast %add3A_737 : i32 to vector<16xi32>
      %add3A_759 = arith.constant 0 : i32
      %add3A_760 = vector.broadcast %add3A_759 : i32 to vector<16xi32>
      %add3A_761 = arith.addi %add3A_760, %iota3A : vector<16xi32>
      %gather3A_762 = arith.constant 7 : i32
      %gather3A_763 = arith.constant 0 : i32
      %gather3A_764 = arith.constant 0 : i32
      %gather3A_765 = tpu.memref_slice %arg6[%gather3A_762, %gather3A_763, %gather3A_764] : memref<8x64x128xf32, #tpu.memory_space<vmem>> -> memref<1x64x128xf32, #tpu.memory_space<vmem>>
      %gather3A_766 = tpu.memref_squeeze %gather3A_765 : memref<1x64x128xf32, #tpu.memory_space<vmem>> -> memref<64x128xf32, #tpu.memory_space<vmem>>
      %gather3A_767 = tpu.vector_load_idx %gather3A_766[%add3A_761, %and3A_757] : memref<64x128xf32, #tpu.memory_space<vmem>>[vector<16xi32>, vector<16xi32>], vector<16xf32>,
      %add3A_768 = arith.constant 0 : i32
      %add3A_769 = vector.broadcast %add3A_768 : i32 to vector<16xi32>
      %add3A_770 = arith.addi %add3A_769, %iota3A : vector<16xi32>
      tpu.vector_store_idx %arg7[%add3A_770, %broadcast_in_dim3A_758], %gather3A_767 : memref<64x512xf32, #tpu.memory_space<vmem>>[vector<16xi32>, vector<16xi32>], vector<16xf32>,
      %add3A_771 = arith.constant 16 : i32
      %add3A_772 = vector.broadcast %add3A_771 : i32 to vector<16xi32>
      %add3A_773 = arith.addi %add3A_772, %iota3A : vector<16xi32>
      %gather3A_774 = arith.constant 7 : i32
      %gather3A_775 = arith.constant 0 : i32
      %gather3A_776 = arith.constant 0 : i32
      %gather3A_777 = tpu.memref_slice %arg6[%gather3A_774, %gather3A_775, %gather3A_776] : memref<8x64x128xf32, #tpu.memory_space<vmem>> -> memref<1x64x128xf32, #tpu.memory_space<vmem>>
      %gather3A_778 = tpu.memref_squeeze %gather3A_777 : memref<1x64x128xf32, #tpu.memory_space<vmem>> -> memref<64x128xf32, #tpu.memory_space<vmem>>
      %gather3A_779 = tpu.vector_load_idx %gather3A_778[%add3A_773, %and3A_757] : memref<64x128xf32, #tpu.memory_space<vmem>>[vector<16xi32>, vector<16xi32>], vector<16xf32>,
      %add3A_780 = arith.constant 16 : i32
      %add3A_781 = vector.broadcast %add3A_780 : i32 to vector<16xi32>
      %add3A_782 = arith.addi %add3A_781, %iota3A : vector<16xi32>
      tpu.vector_store_idx %arg7[%add3A_782, %broadcast_in_dim3A_758], %gather3A_779 : memref<64x512xf32, #tpu.memory_space<vmem>>[vector<16xi32>, vector<16xi32>], vector<16xf32>,
      %add3A_783 = arith.constant 32 : i32
      %add3A_784 = vector.broadcast %add3A_783 : i32 to vector<16xi32>
      %add3A_785 = arith.addi %add3A_784, %iota3A : vector<16xi32>
      %gather3A_786 = arith.constant 7 : i32
      %gather3A_787 = arith.constant 0 : i32
      %gather3A_788 = arith.constant 0 : i32
      %gather3A_789 = tpu.memref_slice %arg6[%gather3A_786, %gather3A_787, %gather3A_788] : memref<8x64x128xf32, #tpu.memory_space<vmem>> -> memref<1x64x128xf32, #tpu.memory_space<vmem>>
      %gather3A_790 = tpu.memref_squeeze %gather3A_789 : memref<1x64x128xf32, #tpu.memory_space<vmem>> -> memref<64x128xf32, #tpu.memory_space<vmem>>
      %gather3A_791 = tpu.vector_load_idx %gather3A_790[%add3A_785, %and3A_757] : memref<64x128xf32, #tpu.memory_space<vmem>>[vector<16xi32>, vector<16xi32>], vector<16xf32>,
      %add3A_792 = arith.constant 32 : i32
      %add3A_793 = vector.broadcast %add3A_792 : i32 to vector<16xi32>
      %add3A_794 = arith.addi %add3A_793, %iota3A : vector<16xi32>
      tpu.vector_store_idx %arg7[%add3A_794, %broadcast_in_dim3A_758], %gather3A_791 : memref<64x512xf32, #tpu.memory_space<vmem>>[vector<16xi32>, vector<16xi32>], vector<16xf32>,
      %add3A_795 = arith.constant 48 : i32
      %add3A_796 = vector.broadcast %add3A_795 : i32 to vector<16xi32>
      %add3A_797 = arith.addi %add3A_796, %iota3A : vector<16xi32>
      %gather3A_798 = arith.constant 7 : i32
      %gather3A_799 = arith.constant 0 : i32
      %gather3A_800 = arith.constant 0 : i32
      %gather3A_801 = tpu.memref_slice %arg6[%gather3A_798, %gather3A_799, %gather3A_800] : memref<8x64x128xf32, #tpu.memory_space<vmem>> -> memref<1x64x128xf32, #tpu.memory_space<vmem>>
      %gather3A_802 = tpu.memref_squeeze %gather3A_801 : memref<1x64x128xf32, #tpu.memory_space<vmem>> -> memref<64x128xf32, #tpu.memory_space<vmem>>
      %gather3A_803 = tpu.vector_load_idx %gather3A_802[%add3A_797, %and3A_757] : memref<64x128xf32, #tpu.memory_space<vmem>>[vector<16xi32>, vector<16xi32>], vector<16xf32>,
      %add3A_804 = arith.constant 48 : i32
      %add3A_805 = vector.broadcast %add3A_804 : i32 to vector<16xi32>
      %add3A_806 = arith.addi %add3A_805, %iota3A : vector<16xi32>
      tpu.vector_store_idx %arg7[%add3A_806, %broadcast_in_dim3A_758], %gather3A_803 : memref<64x512xf32, #tpu.memory_space<vmem>>[vector<16xi32>, vector<16xi32>], vector<16xf32>,
      %add3A_807 = arith.constant 8 : i32
      %add3A_808 = arith.addi %add3A_737, %add3A_807 : i32
      %lt3A_809 = arith.constant 512 : i32
      %lt3A_810 = arith.cmpi slt, %add3A_808, %lt3A_809 : i32
      %convert_element_type3A_811 = arith.extui %lt3A_810 : i1 to i32
      %cond3A_812 = arith.constant 0 : i32
      %cond3A_813 = arith.cmpi ne, %convert_element_type3A_811, %cond3A_812 : i32
      scf.if %cond3A_813 {
        %broadcast_in_dim3A_814 = vector.broadcast %add3A_808 : i32 to vector<16xi32>
        %gather3A_815 = tpu.vector_load_idx %arg5[%broadcast_in_dim3A_814] : memref<512xi32, #tpu.memory_space<vmem>>[vector<16xi32>], vector<16xi32>,
        %and3A_816 = arith.constant -128 : i32
        %and3A_817 = vector.broadcast %and3A_816 : i32 to vector<16xi32>
        %and3A_818 = arith.andi %gather3A_815, %and3A_817 : vector<16xi32>
        %slice3A_819 = vector.extract_strided_slice %and3A_818 {offsets = [0], sizes = [1], strides = [1]} : vector<16xi32> to vector<1xi32>
        %squeeze3A_820 = vector.extract %slice3A_819[0] : i32 from vector<1xi32>
        %multiple_of3A_821 = tpu.assume_multiple %squeeze3A_820, 128 : i32
        %dma_start3A_822 = arith.constant 7 : i32
        %dma_start3A_823 = arith.constant 0 : i32
        %dma_start3A_824 = arith.constant 0 : i32
        %dma_start3A_825 = tpu.memref_slice %arg6[%dma_start3A_822, %dma_start3A_823, %dma_start3A_824] : memref<8x64x128xf32, #tpu.memory_space<vmem>> -> memref<1x64x128xf32, #tpu.memory_space<vmem>>
        %dma_start3A_826 = tpu.memref_squeeze %dma_start3A_825 : memref<1x64x128xf32, #tpu.memory_space<vmem>> -> memref<64x128xf32, #tpu.memory_space<vmem>>
        %dma_start3A_827 = arith.constant 0 : i32
        %dma_start3A_828 = tpu.memref_slice %arg3[%dma_start3A_827, %multiple_of3A_821] : memref<64x1000000xf32, #tpu.memory_space<hbm>> -> memref<64x128xf32, #tpu.memory_space<hbm>>
        %dma_start3A_829 = arith.constant 0 : i32
        %dma_start3A_830 = arith.constant 0 : i32
        %dma_start3A_831 = tpu.memref_slice %arg6[%dma_start3A_822, %dma_start3A_829, %dma_start3A_830] : memref<8x64x128xf32, #tpu.memory_space<vmem>> -> memref<1x64x128xf32, #tpu.memory_space<vmem>>
        %dma_start3A_832 = tpu.memref_squeeze %dma_start3A_831 : memref<1x64x128xf32, #tpu.memory_space<vmem>> -> memref<64x128xf32, #tpu.memory_space<vmem>>
        %dma_start3A_833 = arith.constant 0 : i32
        %dma_start3A_834 = tpu.memref_slice %arg3[%dma_start3A_833, %multiple_of3A_821] : memref<64x1000000xf32, #tpu.memory_space<hbm>> -> memref<64x128xf32, #tpu.memory_space<hbm>>
        tpu.enqueue_dma source(%dma_start3A_834 : memref<64x128xf32, #tpu.memory_space<hbm>>) target(%dma_start3A_832 : memref<64x128xf32, #tpu.memory_space<vmem>>) target_semaphore(%arg15 : memref<!tpu.dma_semaphore, #tpu.memory_space<semaphore_mem>>)
      } else {
      }
    }
    %scan3A_176 = arith.constant 64 : i32
    "tpu.region"() ({
      %run_scoped3A = tpu.sem_alloc : memref<!tpu.dma_semaphore, #tpu.memory_space<semaphore_mem>>
      %dma_start3A_177 = arith.constant 0 : i32
      %dma_start3A_178 = tpu.memref_slice %arg4[%dma_start3A_177, %mul3A_2] : memref<64x16384xf32, #tpu.memory_space<hbm>> -> memref<64x512xf32, #tpu.memory_space<hbm>>
      %dma_start3A_179 = arith.constant 0 : i32
      %dma_start3A_180 = tpu.memref_slice %arg4[%dma_start3A_179, %mul3A_2] : memref<64x16384xf32, #tpu.memory_space<hbm>> -> memref<64x512xf32, #tpu.memory_space<hbm>>
      tpu.enqueue_dma source(%arg7 : memref<64x512xf32, #tpu.memory_space<vmem>>) target(%dma_start3A_180 : memref<64x512xf32, #tpu.memory_space<hbm>>) target_semaphore(%run_scoped3A : memref<!tpu.dma_semaphore, #tpu.memory_space<semaphore_mem>>)
      %dma_wait3A = arith.constant 0 : i32
      %dma_wait3A_181 = tpu.memref_slice %arg4[%dma_wait3A, %mul3A_2] : memref<64x16384xf32, #tpu.memory_space<hbm>> -> memref<64x512xf32, #tpu.memory_space<hbm>>
      %dma_wait3A_182 = arith.constant 0 : i32
      %dma_wait3A_183 = tpu.memref_slice %arg4[%dma_wait3A_182, %mul3A_2] : memref<64x16384xf32, #tpu.memory_space<hbm>> -> memref<64x512xf32, #tpu.memory_space<hbm>>
      tpu.wait_dma2 semaphore(%run_scoped3A : memref<!tpu.dma_semaphore, #tpu.memory_space<semaphore_mem>>) src(%arg7 : memref<64x512xf32, #tpu.memory_space<vmem>>) dst(%dma_wait3A_183 : memref<64x512xf32, #tpu.memory_space<hbm>>)
      tpu.yield
    }) : () -> ()
    return
  }
}

</mosaic_0001>

<sc_bundles>
// kernel: kernel.3.cloned.1.call-start
scs
__scs_entry_jumppad:
0x0: {  	(pc) =	sbr.rel $0x88, $3  }
0x1: {  	(tag) =	ssettag $0x0;
	lr =	simm.s32 $0x1  }
0x2: {  	[smem:$0x3F9F] =	sst lr;
	_ =	strace $0xD0000000  }
0x3: {  	_ = 	snop  }
0x4: {  	_ = 	snop  }
0x5: {  	_ = 	snop  }
0x6: {  	_ = 	snop  }
0x7: {  	_ = 	snop  }
__scs_overlays_trampoline_lowered:
0x8: {  	[smem:$0x3FAE] =	sst s0  }
0x9: {  	[smem:$0x3FAF] =	sst s1  }
0xa: {  	[smem:$0x3FB0] =	sst s2  }
0xb: {  	[smem:$0x3FB1] =	sst s3  }
0xc: {  	[smem:$0x3FB2] =	sst s4  }
0xd: {  	[smem:$0x3FB3] =	sst s5  }
0xe: {  	[smem:$0x3FB4] =	sst s6  }
0xf: {  	[smem:$0x3FB5] =	sst s7  }
0x10: {  	[smem:$0x3FB6] =	sst s8  }
0x11: {  	[smem:$0x3FB7] =	sst s9;
	s0 =	simm.s32 @!p0 $0x0  }
0x12: {  	s1 =	sld [smem:$0x3F9D];
	s0 =	simm.s32 @p0 $0x1  }
0x13: {  	[smem:$0x3FB8] =	sst s0;
	s0 =	simm.s32 @!p1 $0x0  }
0x14: {  	s2 =	sld [smem:$0x3F9C];
	s0 =	simm.s32 @p1 $0x1  }
0x15: {  	[smem:$0x3FB9] =	sst s0;
	s0 =	simm.s32 @!p2 $0x0  }
0x16: {  	s3 =	sld [smem:$0x3FDB];
	s0 =	simm.s32 @p2 $0x1  }
0x17: {  	s4 =	simm.s32 $0x1BF5;
	[smem:$0x3FBB] =	sst s0  }
0x18: {  	s0 =	sld [smem:$0x3F9E];
	_ =	swait.ge [sflag:s4], $0x0  }
0x19: {  	s7 =	sld [smem:$0x3F9F]  }
0x1a: {  	s8 =	sadd.s32 $0xFFFFE003, lr  }
0x1b: {  	s9 =	sadd.s32 $0xFFFFFEF7, lr;
	s5 =	simm.s32 $0xFFFFFFFF;
	p2 =	slt.u32 s8, $0xFFFFF086  }
0x1c: {  	p1 =	slt.u32 s9, $0xF7A;
	s5 =	simm.s32 @!p2 $0x0  }
0x1d: {  	s5 =	simm.s32 @p1 $0x1;
	p0 =	seq.s32 s7, s2  }
0x1e: {  	s7 =	smul.u32 @!p0 $0xF7A, s2;
	p2 =	seq.s32 @!p0 s5, $0x0  }
0x1f: {  	s9 =	smul.u32 $0xF7A, s1;
	s8 =	simm.s32 @!p0 $0x1BF5;
	p2 =	por !p2, p0  }
0x20: {  	[sflag:s8] =	ssyncset.s32 @!p0 $0xFFFFF086;
	s6 =	sadd.s32 @!p0 s3, s7;
	s7 =	simm.s32 @!p0 $0x108  }
0x21: {  	s3 =	sadd.s32 s3, s9;
	s6 =	sadd.s32 @!p0 $0x88, s6;
	s7 =	simm.s32 @p2 $0x1082  }
0x22: {  	[simem:s7], [sflag:s8] =	dma.local @!p0 [hbm:s6], $0xF7A  }
0x23: {  	s9 =	sor.u32 $0xD0000000, s2;
	s6 =	simm.s32 $0x108;
	_ =	swait.ge @!p0 [sflag:s8], $0x0  }
0x24: {  	s3 =	sadd.s32 $0x88, s3;
	s6 =	simm.s32 @!p1 $0x1082;
	[sflag:s4] =	ssyncset.s32 $0xFFFFF086  }
0x25: {  	[simem:s6], [sflag:s4] =	dma.local [hbm:s3], $0xF7A  }
0x26: {  	[smem:$0x3F9F] =	sst s1;
	(tag) =	ssettag s2;
	_ =	strace s9  }
0x27: {  	s1 =	sld [smem:$0x3FAF]  }
0x28: {  	s2 =	sld [smem:$0x3FB0]  }
0x29: {  	s4 =	sld [smem:$0x3FB2]  }
0x2a: {  	p0 =	seq.s32 s5, $0x0;
	s5 =	sld [smem:$0x3FB3]  }
0x2b: {  	s6 =	sld [smem:$0x3FB4]  }
0x2c: {  	s7 =	sld [smem:$0x3FB5]  }
0x2d: {  	s3 =	simm.s32 $0x108;
	s8 =	sld [smem:$0x3FB6]  }
0x2e: {  	s3 =	simm.s32 @!p0 $0x1082;
	s9 =	sld [smem:$0x3FB7]  }
0x2f: {  	lr =	sadd.s32 s0, s3;
	s0 =	sld [smem:$0x3FAE]  }
0x30: {  	s3 =	sld [smem:$0x3FB1]  }
0x31: {  	[smem:$0x3FBA] =	sst s10  }
0x32: {  	s10 =	sld [smem:$0x3FB8];
	_ =	sdelay $0x3  }
0x33: {  	p0 =	seq.s32 s10, $0x1;
	s10 =	sld [smem:$0x3FBA];
	_ =	sdelay $0x3  }
0x34: {  	[smem:$0x3FBA] =	sst s10  }
0x35: {  	s10 =	sld [smem:$0x3FB9];
	_ =	sdelay $0x3  }
0x36: {  	p1 =	seq.s32 s10, $0x1;
	s10 =	sld [smem:$0x3FBA];
	_ =	sdelay $0x3  }
0x37: {  	[smem:$0x3FBA] =	sst s10  }
0x38: {  	s10 =	sld [smem:$0x3FBB]  }
0x39: {  	_ = 	snop;
	(pc) =	sbr.ind lr, $3  }
0x3a: {  	_ = 	snop  }
0x3b: {  	_ = 	snop  }
0x3c: {  	p2 =	seq.s32 s10, $0x1;
	s10 =	sld [smem:$0x3FBA]  }
0x3d: {  	_ =	shalt  }
0x3e: {  	_ =	shalt  }
0x3f: {  	_ =	shalt  }
0x40: {  	_ =	shalt  }
0x41: {  	_ =	shalt  }
0x42: {  	_ =	shalt  }
0x43: {  	_ =	shalt  }
0x44: {  	_ =	shalt  }
0x45: {  	_ =	shalt  }
0x46: {  	_ =	shalt  }
0x47: {  	_ =	shalt  }
0x48: {  	_ =	shalt  }
0x49: {  	_ =	shalt  }
0x4a: {  	_ =	shalt  }
0x4b: {  	_ =	shalt  }
0x4c: {  	_ =	shalt  }
0x4d: {  	_ =	shalt  }
0x4e: {  	_ =	shalt  }
0x4f: {  	_ =	shalt  }
0x50: {  	_ =	shalt  }
0x51: {  	_ =	shalt  }
0x52: {  	_ =	shalt  }
0x53: {  	_ =	shalt  }
0x54: {  	_ =	shalt  }
0x55: {  	_ =	shalt  }
0x56: {  	_ =	shalt  }
0x57: {  	_ =	shalt  }
0x58: {  	_ =	shalt  }
0x59: {  	_ =	shalt  }
0x5a: {  	_ =	shalt  }
0x5b: {  	_ =	shalt  }
0x5c: {  	_ =	shalt  }
0x5d: {  	_ =	shalt  }
0x5e: {  	_ =	shalt  }
0x5f: {  	_ =	shalt  }
0x60: {  	_ =	shalt  }
0x61: {  	_ =	shalt  }
0x62: {  	_ =	shalt  }
0x63: {  	_ =	shalt  }
0x64: {  	_ =	shalt  }
0x65: {  	_ =	shalt  }
0x66: {  	_ =	shalt  }
0x67: {  	_ =	shalt  }
0x68: {  	_ =	shalt  }
0x69: {  	_ =	shalt  }
0x6a: {  	_ =	shalt  }
0x6b: {  	_ =	shalt  }
0x6c: {  	_ =	shalt  }
0x6d: {  	_ =	shalt  }
0x6e: {  	_ =	shalt  }
0x6f: {  	_ =	shalt  }
0x70: {  	_ =	shalt  }
0x71: {  	_ =	shalt  }
0x72: {  	_ =	shalt  }
0x73: {  	_ =	shalt  }
0x74: {  	_ =	shalt  }
0x75: {  	_ =	shalt  }
0x76: {  	_ =	shalt  }
0x77: {  	_ =	shalt  }
0x78: {  	_ =	shalt  }
0x79: {  	_ =	shalt  }
0x7a: {  	_ =	shalt  }
0x7b: {  	_ =	shalt  }
0x7c: {  	_ =	shalt  }
0x7d: {  	_ =	shalt  }
0x7e: {  	_ =	shalt  }
0x7f: {  	_ =	shalt  }
0x80: {  	_ =	shalt  }
0x81: {  	_ =	shalt  }
0x82: {  	_ =	shalt  }
0x83: {  	_ =	shalt  }
0x84: {  	_ =	shalt  }
0x85: {  	_ =	shalt  }
0x86: {  	_ =	shalt  }
0x87: {  	_ =	shalt  }
.Lfunc_end0:
.L_simem_size_0:
called_computation_lowered:
.L_overlay_start_0:
0x88: {  	s2 =	sld [smem:$0x3FD9]  }
0x89: {  	s3 =	sld [smem:$0x3FFE];
	_ =	sdelay $0x1  }
0x8a: {  	s1 =	srdreg.scid  }
0x8b: {  	s0 =	sand.u32 $0x1, s1  }
0x8c: {  	s18 =	sshll.u32 s0, $0xA;
	s2 =	sadd.s32 s3, s2  }
0x8d: {  	s2 =	sadd.s32 s2, s18  }
0x8e: {  	[smem:$0x3FC6] =	sst s2  }
0x8f: {  	_ = 	snop  }
0x90: {  	s2 =	sld [smem:$0x3FC9]  }
0x91: {  	s19 =	sld [smem:$0x3FC8]  }
0x92: {  	s4 =	sld [smem:$0x3FD0];
	(tm) =	ssettm $0x1  }
0x93: {  	s5 =	sld [smem:$0x3FFB];
	_ =	sdelay $0x3  }
0x94: {  	_ =	strace s5  }
0x95: {  	s5 =	sld [smem:$0x3FFC];
	_ =	sdelay $0x3  }
0x96: {  	_ =	strace s5  }
0x97: {  	s5 =	sld [smem:$0x3FFD];
	_ =	sdelay $0x3  }
0x98: {  	_ =	strace s5  }
0x99: {  	_ =	strace $0x8FFFFFFF  }
0x9a: {  	s20 =	sld [smem:$0x3FDB];
	_ =	sdelay $0x1  }
0x9b: {  	s6 =	simm.s32 $_scs_section_size  }
0x9c: {  	s7 =	simm.s32 $_size__tile_overlayer_lowered;
	s8 =	simm.s32 $_tile_overlayer_lowered  }
0x9d: {  	s23 =	simm.s32 $0x1BFF;
	s22 =	sshll.u32 s8, $0x1;
	s5 =	sadd.s32 s6, s20  }
0x9e: {  	s9 =	simm.s32 $0x0;
	s21 =	sshll.u32 s7, $0x1;
	s7 =	sadd.s32 s22, s5  }
0x9f: {  	[timem:s9], [sflag:s23] =	dma.local [hbm:s7], s21  }
0xa0: {  	_ =	swait.ge [sflag:s23], s21  }
0xa1: {  	s6 =	ssub.s32 $0x0, s21;
	[sflag:s23] =	ssyncset.done $0x0  }
0xa2: {  	[sflag:s23] =	ssyncadd.s32 s6;
	_ =	sdelay $0x1  }
0xa3: {  	s24 =	simm.s32 $0x1B8B  }
0xa4: {  	_ =	swait.ge [sflag:s24], $0x1  }
0xa5: {  	[sflag:s24] =	ssyncset.done $0x0  }
0xa6: {  	s25 =	simm.s32 $0x1B8E;
	[sflag:s24] =	ssyncadd.s32 $0xFFFFFFFF  }
0xa7: {  	s26 =	simm.s32 $execute0_lowered;
	[smem:$0x3FD2] =	sst s25  }
0xa8: {  	s6 =	sshll.u32 s26, $0x1;
	_ =	strace $0x80000046;
	[dreg:$0x1] =	wrdreg $0xFFFFFFFF  }
0xa9: {  	s28 =	simm.s32 $_size_execute0_lowered;
	s5 =	sadd.s32 s5, s6;
	[dreg:$0x0] =	wrdreg $0x0  }
0xaa: {  	s6 =	sshll.u32 s28, $0x1;
	[dreg:$0x2] =	wrdreg s5  }
0xab: {  	[dreg:$0x3] =	wrdreg s6  }
0xac: {  	[dreg:$0x4] =	wrdreg $0xC0  }
0xad: {  	_ =	task [dreg:s9], $0x5FFFF  }
0xae: {  	[dreg:$0x1] =	wrdreg $0xFFFFFFFF  }
0xaf: {  	[dreg:$0x0] =	wrdreg $0x60  }
0xb0: {  	[dreg:$0x2] =	wrdreg s2  }
0xb1: {  	[dreg:$0x3] =	wrdreg s19  }
0xb2: {  	[dreg:$0x4] =	wrdreg s4  }
0xb3: {  	[dreg:$0x5] =	wrdreg $0x9  }
0xb4: {  	_ =	task.clear_ibuf [dreg:s9], $0x6FFFF;
	_ =	strace $0x90000046  }
0xb5: {  	s29 =	simm.s32 $0x9;
	_ =	strace $0x80000048  }
0xb6: {  	_ =	swait.ge [sflag:s29], $0x1  }
0xb7: {  	[sflag:s29] =	ssyncadd.s32 $0xFFFFFFFF  }
0xb8: {  	_ =	strace $0x90000048  }
0xb9: {  	_ =	sfence  }
0xba: {  	s30 =	sld [smem:$0x0];
	_ =	sdelay $0x2  }
0xbb: {  	s31 =	sshll.u32 s1, $0xD;
	s1 =	sshrl.u32 s1, $0x2  }
0xbc: {  	s3 =	sand.u32 $0x4000, s31;
	s1 =	sadd.s32 s1, s30  }
0xbd: {  	s0 =	sor.u32 s3, s0;
	s1 =	sshll.u32 s1, $0x11  }
0xbe: {  	s0 =	sor.u32 s1, s0  }
0xbf: {  	s0 =	sadd.s32 $0x8F2B, s0  }
0xc0: {  	[sflag:s0] =	ssyncadd.remote.s32 $0x1  }
0xc1: {  	_ =	sfence.sel $0xFFFF  }
0xc2: {  	[dreg:$0x0] =	wrdreg $0xFFFFFFFF;
	(pc) =	sbr.abs _section_cstart, $3  }
0xc3: {  	[dreg:$0x1] =	wrdreg $0xFFFFFFFF  }
0xc4: {  	_ =	task.clear_ibuf [dreg:s9], $0x2FFFF;
	_ =	strace $0x9FFFFFFF  }
0xc5: {  	(tm) =	ssettm $0x7FFFFFFF  }
tec
execute0_lowered:
.L_overlay_start_1:
0x0: {  	(tag) =	ssettag $0x1  }
0x1: {  	v0 =	vimm.s32 $0x1380  }
0x2: {  	vm14 =	vcmask $0x300;
	vm13 =	vcmask $0x704;
	vm12 =	vcmask $0xB08  }
0x3: {  	vm11 =	vcmask $0xF0C;
	vm10 =	vcmask $0x1310;
	vm9 =	vcmask $0x1714  }
0x4: {  	vm8 =	vcmask $0x1B18;
	vm7 =	vcmask $0x1F1C;
	vm6 =	vcmask $0x2320  }
0x5: {  	vm5 =	vcmask $0x2724;
	vm4 =	vcmask $0x2B28;
	vm3 =	vcmask $0x2F2C  }
0x6: {  	v8 =	vlaneseq.u32;
	vm2 =	vcmask $0x3330;
	vm1 =	vcmask $0x3734  }
0x7: {  	vm0 =	vcmask $0x3B38;
	v10 =	vimm.s32 $0x3380;
	v11 =	vimm.s32 $0x5380  }
0x8: {  	v12 =	vimm.s32 $0x7380;
	v0 =	vsel vm14, $0x0, v0;
	v10 =	vsel vm14, $0x2000, v10  }
0x9: {  	v11 =	vsel vm14, $0x4000, v11;
	v12 =	vsel vm14, $0x6000, v12;
	v0 =	vsel vm13, $0x80, v0  }
0xa: {  	v10 =	vsel vm13, $0x2080, v10;
	v11 =	vsel vm13, $0x4080, v11;
	v12 =	vsel vm13, $0x6080, v12  }
0xb: {  	v0 =	vsel vm12, $0x100, v0;
	v10 =	vsel vm12, $0x2100, v10;
	v11 =	vsel vm12, $0x4100, v11  }
0xc: {  	v12 =	vsel vm12, $0x6100, v12;
	v1 =	vsel vm11, $0x180, v0;
	v0 =	vimm.s32 $0x1  }
0xd: {  	v10 =	vsel vm11, $0x2180, v10;
	v11 =	vsel vm11, $0x4180, v11;
	v12 =	vsel vm11, $0x6180, v12  }
0xe: {  	v2 =	vsel vm10, $0x200, v1;
	v1 =	vimm.s32 $0x2;
	v10 =	vsel vm10, $0x2200, v10  }
0xf: {  	v11 =	vsel vm10, $0x4200, v11;
	v12 =	vsel vm10, $0x6200, v12;
	v3 =	vsel vm9, $0x280, v2  }
0x10: {  	s1 =	rddreg [dreg:$0x0];
	v2 =	vimm.s32 $0x3;
	v10 =	vsel vm9, $0x2280, v10;
	v11 =	vsel vm9, $0x4280, v11  }
0x11: {  	s0 =	rddreg [dreg:$0x1];
	v12 =	vsel vm9, $0x6280, v12;
	v4 =	vsel vm8, $0x300, v3;
	v3 =	vimm.s32 $0x4  }
0x12: {  	s2 =	rddreg [dreg:$0x2];
	v10 =	vsel vm8, $0x2300, v10;
	v11 =	vsel vm8, $0x4300, v11;
	v12 =	vsel vm8, $0x6300, v12  }
0x13: {  	s3 =	srdreg.scid;
	s5 =	stileid.u32;
	s8 =	simm.s32 $0x7A1400;
	v5 =	vsel vm7, $0x380, v4;
	v4 =	vimm.s32 $0x5;
	v10 =	vsel vm7, $0x2380, v10  }
0x14: {  	s9 =	simm.s32 $0x400;
	s10 =	simm.s32 $0x200;
	s11 =	simm.s32 $0x2200;
	v11 =	vsel vm7, $0x4380, v11;
	v12 =	vsel vm7, $0x6380, v12;
	v6 =	vsel vm6, $0x1000, v5  }
0x15: {  	s12 =	simm.s32 $0x4200;
	s13 =	simm.s32 $0x6200;
	s14 =	simm.s32 $0x8200;
	v5 =	vimm.s32 $0x6;
	v10 =	vsel vm6, $0x3000, v10;
	v11 =	vsel vm6, $0x5000, v11  }
0x16: {  	s15 =	simm.s32 $0xA200;
	s16 =	simm.s32 $0xC200;
	s17 =	simm.s32 $0xE200;
	v12 =	vsel vm6, $0x7000, v12;
	v7 =	vsel vm5, $0x1080, v6;
	v6 =	vimm.s32 $0x7  }
0x17: {  	s18 =	simm.s32 $0x1;
	s19 =	simm.s32 $0x10200;
	s20 =	simm.s32 $0x2;
	v10 =	vsel vm5, $0x3080, v10;
	v11 =	vsel vm5, $0x5080, v11;
	v12 =	vsel vm5, $0x7080, v12  }
0x18: {  	s21 =	simm.s32 $0x3;
	s22 =	simm.s32 $0x4;
	s23 =	simm.s32 $0x5;
	v7 =	vsel vm4, $0x1100, v7;
	v10 =	vsel vm4, $0x3100, v10;
	v11 =	vsel vm4, $0x5100, v11  }
0x19: {  	s24 =	simm.s32 $0x6;
	s25 =	simm.s32 $0x7;
	s26 =	simm.s32 $0x8;
	v12 =	vsel vm4, $0x7100, v12;
	v9 =	vsel vm3, $0x1180, v7;
	v7 =	vmul.u32 $0x80, v8  }
0x1a: {  	s30 =	simm.s32 $0x0;
	s4 =	sand.u32 $0x1, s3;
	s3 =	simm.s32 $0x0;
	v10 =	vsel vm3, $0x3180, v10;
	v11 =	vsel vm3, $0x5180, v11;
	v12 =	vsel vm3, $0x7180, v12  }
.Ltmp0:
0x1b: {  	s5 =	sshll.u32 s5, $0xA;
	s6 =	sshll.u32 s4, $0x9;
	v8 =	vsel vm2, $0x1200, v9;
	v10 =	vsel vm2, $0x3200, v10;
	v13 =	vsel vm2, $0x5200, v11;
	(pc) =	sbr.rel .LBB2_1-.Ltmp0, $4  }
0x1c: {  	[smem:$0x7FF] =	sst s3;
	s4 =	ssub.s32 $0x2, s4;
	s5 =	sor.u32 s6, s5;
	v12 =	vsel vm2, $0x7200, v12;
	v8 =	vsel vm1, $0x1280, v8;
	v9 =	vor.u32 $0x800, v7  }
0x1d: {  	_ =	strace $0x80000047;
	s31 =	sshrl.u32 s4, $0x1;
	s7 =	sshrl.u32 s5, $0x3;
	v10 =	vsel vm1, $0x3280, v10;
	v11 =	vor.u32 $0x1000, v7;
	v13 =	vsel vm1, $0x5280, v13  }
0x1e: {  	s6 =	ssub.s32 s4, s31;
	s5 =	sadd.s32 s2, s5;
	s1 =	sadd.s32 s1, s7;
	v14 =	vsel vm1, $0x7280, v12;
	v8 =	vsel vm0, $0x1300, v8;
	v10 =	vsel vm0, $0x3300, v10  }
0x1f: {  	s6 =	smax.u32 s6, $0x1;
	s7 =	simm.s32 $0x9;
	[dreg:$0x4] =	wrdreg s1;
	v12 =	vsel vm0, $0x5300, v13;
	v13 =	vor.u32 $0x1800, v7;
	v14 =	vsel vm0, $0x7300, v14  }
.LBB2_4:
0x20: {  	s30 =	sadd.s32 $0x1, s30  }
0x21: {  	p0 =	sne.s32 s30, s6  }
.Ltmp1:
0x22: {  	s1 =	simm.s32 $0x1000;
	s2 =	simm.s32 $0x20000;
	(pc) =	sbr.rel @!p0 .LBB2_5-.Ltmp1, $4  }
0x23: {  	[hbm4b:s5+s1] =	stream.strided.scatter [tilespmem:s19], [sflag:$0x9], $0x8000, s2, s1, $0x38;
	[tilespmem:$0x18200] =	vst v63  }
0x24: {  	_ =	swait.ge [sflag:s7], $0x8000  }
0x25: {  	[sflag:s7] =	ssyncset.done $0x0  }
0x26: {  	[sflag:s7] =	ssyncadd.s32 $0xFFFF8000  }
.LBB2_1:
0x27: {  	s1 =	rddreg [dreg:$0x4]  }
0x28: {  	[tilespmem:s3], [sflag:$0x9] =	stream.linear.gather [hbm4b:s1+s3], $0x200, $0x38;
	[tilespmem:$0x18200] =	vst v63  }
0x29: {  	_ =	swait.ge [sflag:s7], $0x200  }
0x2a: {  	[sflag:s7] =	ssyncset.done $0x0  }
0x2b: {  	[sflag:s7] =	ssyncadd.s32 $0xFFFFFE00  }
0x2c: {  	v15 =	vld.msk [tilespmem:s3+$0x0], $0xffff;
	_ =	sdelay $0x4  }
0x2d: {  	(v2sf) =	vpush v15, $0x0;
	_ =	sdelay $0xe  }
0x2e: {  	s2 =	spop (v2sf)  }
0x2f: {  	s1 =	sand.u32 $0xFFFFF80, s2  }
0x30: {  	s1 =	sadd.s32 s0, s1  }
0x31: {  	[tilespmem:s10], [sflag:$0x1] =	stream.strided.gather [hbm4b:s1+s9], $0x2000, s8, s9, $0x38;
	[tilespmem:$0x18200] =	vst v63  }
0x32: {  	v15 =	vld.idx.msk [tilespmem:v0+s3+$0x0], $0xffff;
	_ =	sdelay $0x4  }
0x33: {  	(v2sf) =	vpush v15, $0x0;
	_ =	sdelay $0xe  }
0x34: {  	s4 =	spop (v2sf)  }
0x35: {  	s1 =	sand.u32 $0xFFFFF80, s4  }
0x36: {  	s1 =	sadd.s32 s0, s1  }
0x37: {  	[tilespmem:s11], [sflag:$0x2] =	stream.strided.gather [hbm4b:s1+s9], $0x2000, s8, s9, $0x38;
	[tilespmem:$0x18200] =	vst v63  }
0x38: {  	v15 =	vld.idx.msk [tilespmem:v1+s3+$0x0], $0xffff;
	_ =	sdelay $0x4  }
0x39: {  	(v2sf) =	vpush v15, $0x0;
	_ =	sdelay $0xe  }
0x3a: {  	s28 =	spop (v2sf)  }
0x3b: {  	s1 =	sand.u32 $0xFFFFF80, s28  }
0x3c: {  	s1 =	sadd.s32 s0, s1  }
0x3d: {  	[tilespmem:s12], [sflag:$0x3] =	stream.strided.gather [hbm4b:s1+s9], $0x2000, s8, s9, $0x38;
	[tilespmem:$0x18200] =	vst v63  }
0x3e: {  	v15 =	vld.idx.msk [tilespmem:v2+s3+$0x0], $0xffff;
	_ =	sdelay $0x4  }
0x3f: {  	(v2sf) =	vpush v15, $0x0;
	_ =	sdelay $0xe  }
0x40: {  	s29 =	spop (v2sf)  }
0x41: {  	s1 =	sand.u32 $0xFFFFF80, s29  }
0x42: {  	s1 =	sadd.s32 s0, s1  }
0x43: {  	[tilespmem:s13], [sflag:$0x4] =	stream.strided.gather [hbm4b:s1+s9], $0x2000, s8, s9, $0x38;
	[tilespmem:$0x18200] =	vst v63  }
0x44: {  	v15 =	vld.idx.msk [tilespmem:v3+s3+$0x0], $0xffff;
	_ =	sdelay $0x4  }
0x45: {  	(v2sf) =	vpush v15, $0x0;
	_ =	sdelay $0xe  }
0x46: {  	s2 =	spop (v2sf)  }
0x47: {  	s1 =	sand.u32 $0xFFFFF80, s2  }
0x48: {  	s1 =	sadd.s32 s0, s1  }
0x49: {  	[tilespmem:s14], [sflag:$0x5] =	stream.strided.gather [hbm4b:s1+s9], $0x2000, s8, s9, $0x38;
	[tilespmem:$0x18200] =	vst v63  }
0x4a: {  	v15 =	vld.idx.msk [tilespmem:v4+s3+$0x0], $0xffff;
	_ =	sdelay $0x4  }
0x4b: {  	(v2sf) =	vpush v15, $0x0;
	_ =	sdelay $0xe  }
0x4c: {  	s4 =	spop (v2sf)  }
0x4d: {  	s1 =	sand.u32 $0xFFFFF80, s4  }
0x4e: {  	s1 =	sadd.s32 s0, s1  }
0x4f: {  	[tilespmem:s15], [sflag:$0x6] =	stream.strided.gather [hbm4b:s1+s9], $0x2000, s8, s9, $0x38;
	[tilespmem:$0x18200] =	vst v63  }
0x50: {  	v15 =	vld.idx.msk [tilespmem:v5+s3+$0x0], $0xffff;
	_ =	sdelay $0x4  }
0x51: {  	(v2sf) =	vpush v15, $0x0;
	_ =	sdelay $0xe  }
0x52: {  	s28 =	spop (v2sf)  }
0x53: {  	s1 =	sand.u32 $0xFFFFF80, s28  }
0x54: {  	s1 =	sadd.s32 s0, s1  }
0x55: {  	[tilespmem:s16], [sflag:$0x7] =	stream.strided.gather [hbm4b:s1+s9], $0x2000, s8, s9, $0x38;
	[tilespmem:$0x18200] =	vst v63  }
0x56: {  	v15 =	vld.idx.msk [tilespmem:v6+s3+$0x0], $0xffff;
	_ =	sdelay $0x4  }
0x57: {  	(v2sf) =	vpush v15, $0x0;
	_ =	sdelay $0xe  }
0x58: {  	s29 =	spop (v2sf)  }
0x59: {  	s1 =	sand.u32 $0xFFFFF80, s29  }
0x5a: {  	s31 =	simm.s32 $0x0;
	s1 =	sadd.s32 s0, s1  }
0x5b: {  	[tilespmem:s17], [sflag:$0x8] =	stream.strided.gather [hbm4b:s1+s9], $0x2000, s8, s9, $0x38;
	[tilespmem:$0x18200] =	vst v63  }
.LBB2_2:
0x5c: {  	v15 =	vmov s31;
	_ =	sdelay $0x1  }
0x5d: {  	_ =	swait.ge [sflag:s18], $0x2000  }
0x5e: {  	[sflag:s18] =	ssyncset.done $0x0  }
0x5f: {  	[sflag:s18] =	ssyncadd.s32 $0xFFFFE000  }
0x60: {  	v16 =	vld.idx.msk [tilespmem:v15+s3+$0x0], $0xffff;
	_ =	sdelay $0x4  }
0x61: {  	v16 =	vand.u32 $0x7F, v16  }
0x62: {  	v17 =	vor.u32 v7, v16;
	_ =	sdelay $0x1  }
0x63: {  	v18 =	vshll.u32 v15, $0x3  }
0x64: {  	v18 =	vand.u32 $0xC00, v18;
	v15 =	vand.u32 $0x78, v15  }
0x65: {  	v15 =	vor.u32 v15, v18  }
0x66: {  	v18 =	vor.u32 v8, v15;
	v17 =	vld.idx.msk [tilespmem:v17+s10+$0x0], $0xffff  }
0x67: {  	v19 =	vor.u32 v9, v16;
	_ =	sdelay $0x3  }
0x68: {  	[tilespmem:v18+s19+$0x0] =	vst.idx.msk $0xffff, v17  }
0x69: {  	v55 =	vor.u32 v10, v15;
	v17 =	vld.idx.msk [tilespmem:v19+s10+$0x0], $0xffff  }
0x6a: {  	v56 =	vor.u32 v11, v16;
	_ =	sdelay $0x3  }
0x6b: {  	[tilespmem:v55+s19+$0x0] =	vst.idx.msk $0xffff, v17  }
0x6c: {  	v57 =	vor.u32 v12, v15;
	v17 =	vld.idx.msk [tilespmem:v56+s10+$0x0], $0xffff  }
0x6d: {  	v16 =	vor.u32 v13, v16  }
0x6e: {  	p0 =	seq.s32 s31, $0x1F8  }
0x6f: {  	s1 =	sadd.s32 @!p0 $0x8, s31  }
0x70: {  	v19 =	vmov @!p0 s1  }
0x71: {  	[tilespmem:v57+s19+$0x0] =	vst.idx.msk $0xffff, v17;
	v17 =	vand.u32 @!p0 $0xFFFFFFF8, v19  }
0x72: {  	v15 =	vor.u32 v14, v15;
	v16 =	vld.idx.msk [tilespmem:v16+s10+$0x0], $0xffff;
	v17 =	vbroadcast @!p0 v17, $0x0;
	_ =	sdelay $0x4  }
0x73: {  	s2 =	simm.s32 @!p0 $0x0;
	[tilespmem:v15+s19+$0x0] =	vst.idx.msk $0xffff, v16  }
0x74: {  	v15 =	vld.idx.msk @!p0 [tilespmem:v17+s2+$0x0], $0xffff;
	_ =	sdelay $0x4  }
0x75: {  	(v2sf) =	vpush @!p0 v15, $0x0;
	_ =	sdelay $0xe  }
0x76: {  	s1 =	spop @!p0 (v2sf)  }
0x77: {  	s4 =	sadd.s32 $0x1, s31;
	s28 =	simm.s32 @!p0 $0x7A1400;
	s1 =	sand.u32 @!p0 $0xFFFFF80, s1  }
0x78: {  	v15 =	vmov s4;
	s4 =	simm.s32 @!p0 $0x200;
	s29 =	sadd.s32 @!p0 s0, s1;
	s1 =	simm.s32 @!p0 $0x400  }
0x79: {  	[tilespmem:s4], [sflag:$0x1] =	stream.strided.gather @!p0 [hbm4b:s29+s1], $0x2000, s28, s1, $0x38;
	[tilespmem:$0x18200] =	vst v63  }
0x7a: {  	_ =	swait.ge [sflag:s20], $0x2000  }
0x7b: {  	[sflag:s20] =	ssyncset.done $0x0  }
0x7c: {  	[sflag:s20] =	ssyncadd.s32 $0xFFFFE000  }
0x7d: {  	v58 =	vld.idx.msk [tilespmem:v15+s3+$0x0], $0xffff;
	_ =	sdelay $0x4  }
0x7e: {  	v16 =	vand.u32 $0x7F, v58  }
0x7f: {  	v59 =	vor.u32 v7, v16;
	_ =	sdelay $0x1  }
0x80: {  	v60 =	vshll.u32 v15, $0x3  }
0x81: {  	v18 =	vand.u32 $0xC00, v60;
	v15 =	vand.u32 $0x79, v15  }
0x82: {  	v15 =	vor.u32 v15, v18  }
0x83: {  	v18 =	vor.u32 v8, v15;
	v17 =	vld.idx.msk [tilespmem:v59+s11+$0x0], $0xffff  }
0x84: {  	v61 =	vor.u32 v9, v16;
	_ =	sdelay $0x3  }
0x85: {  	[tilespmem:v18+s19+$0x0] =	vst.idx.msk $0xffff, v17  }
0x86: {  	v62 =	vor.u32 v10, v15;
	v17 =	vld.idx.msk [tilespmem:v61+s11+$0x0], $0xffff  }
0x87: {  	v63 =	vor.u32 v11, v16;
	_ =	sdelay $0x3  }
0x88: {  	[tilespmem:v62+s19+$0x0] =	vst.idx.msk $0xffff, v17  }
0x89: {  	v21 =	vor.u32 v12, v15;
	v17 =	vld.idx.msk [tilespmem:v63+s11+$0x0], $0xffff  }
0x8a: {  	v16 =	vor.u32 v13, v16;
	_ =	sdelay $0x1  }
0x8b: {  	s4 =	sadd.s32 @!p0 $0x9, s31  }
0x8c: {  	v19 =	vmov @!p0 s4  }
0x8d: {  	[tilespmem:v21+s19+$0x0] =	vst.idx.msk $0xffff, v17;
	v17 =	vand.u32 @!p0 $0xFFFFFFF9, v19  }
0x8e: {  	v15 =	vor.u32 v14, v15;
	v16 =	vld.idx.msk [tilespmem:v16+s11+$0x0], $0xffff;
	v17 =	vbroadcast @!p0 v17, $0x0;
	_ =	sdelay $0x4  }
0x8f: {  	[tilespmem:v15+s19+$0x0] =	vst.idx.msk $0xffff, v16  }
0x90: {  	v15 =	vld.idx.msk @!p0 [tilespmem:v17+s2+$0x0], $0xffff;
	_ =	sdelay $0x4  }
0x91: {  	(v2sf) =	vpush @!p0 v15, $0x0;
	_ =	sdelay $0xe  }
0x92: {  	s4 =	spop @!p0 (v2sf)  }
0x93: {  	s29 =	sadd.s32 $0x2, s31;
	s4 =	sand.u32 @!p0 $0xFFFFF80, s4  }
0x94: {  	v15 =	vmov s29;
	s29 =	simm.s32 @!p0 $0x2200;
	s4 =	sadd.s32 @!p0 s0, s4  }
0x95: {  	[tilespmem:s29], [sflag:$0x2] =	stream.strided.gather @!p0 [hbm4b:s4+s1], $0x2000, s28, s1, $0x38;
	[tilespmem:$0x18200] =	vst v63  }
0x96: {  	_ =	swait.ge [sflag:s21], $0x2000  }
0x97: {  	[sflag:s21] =	ssyncset.done $0x0  }
0x98: {  	[sflag:s21] =	ssyncadd.s32 $0xFFFFE000  }
0x99: {  	v22 =	vld.idx.msk [tilespmem:v15+s3+$0x0], $0xffff;
	_ =	sdelay $0x4  }
0x9a: {  	v16 =	vand.u32 $0x7F, v22  }
0x9b: {  	v23 =	vor.u32 v7, v16;
	_ =	sdelay $0x1  }
0x9c: {  	v24 =	vshll.u32 v15, $0x3  }
0x9d: {  	v18 =	vand.u32 $0xC00, v24;
	v15 =	vand.u32 $0x7A, v15  }
0x9e: {  	v15 =	vor.u32 v15, v18  }
0x9f: {  	v18 =	vor.u32 v8, v15;
	v17 =	vld.idx.msk [tilespmem:v23+s12+$0x0], $0xffff  }
0xa0: {  	v25 =	vor.u32 v9, v16;
	_ =	sdelay $0x3  }
0xa1: {  	[tilespmem:v18+s19+$0x0] =	vst.idx.msk $0xffff, v17  }
0xa2: {  	v26 =	vor.u32 v10, v15;
	v17 =	vld.idx.msk [tilespmem:v25+s12+$0x0], $0xffff  }
0xa3: {  	v27 =	vor.u32 v11, v16;
	_ =	sdelay $0x3  }
0xa4: {  	[tilespmem:v26+s19+$0x0] =	vst.idx.msk $0xffff, v17  }
0xa5: {  	v28 =	vor.u32 v12, v15;
	v17 =	vld.idx.msk [tilespmem:v27+s12+$0x0], $0xffff  }
0xa6: {  	v16 =	vor.u32 v13, v16;
	_ =	sdelay $0x1  }
0xa7: {  	s4 =	sadd.s32 @!p0 $0xA, s31  }
0xa8: {  	v19 =	vmov @!p0 s4  }
0xa9: {  	[tilespmem:v28+s19+$0x0] =	vst.idx.msk $0xffff, v17;
	v17 =	vand.u32 @!p0 $0xFFFFFFFA, v19  }
0xaa: {  	v15 =	vor.u32 v14, v15;
	v16 =	vld.idx.msk [tilespmem:v16+s12+$0x0], $0xffff;
	v17 =	vbroadcast @!p0 v17, $0x0;
	_ =	sdelay $0x4  }
0xab: {  	[tilespmem:v15+s19+$0x0] =	vst.idx.msk $0xffff, v16  }
0xac: {  	v15 =	vld.idx.msk @!p0 [tilespmem:v17+s2+$0x0], $0xffff;
	_ =	sdelay $0x4  }
0xad: {  	(v2sf) =	vpush @!p0 v15, $0x0;
	_ =	sdelay $0xe  }
0xae: {  	s4 =	spop @!p0 (v2sf)  }
0xaf: {  	s29 =	sadd.s32 $0x3, s31;
	s4 =	sand.u32 @!p0 $0xFFFFF80, s4  }
0xb0: {  	v15 =	vmov s29;
	s29 =	simm.s32 @!p0 $0x4200;
	s4 =	sadd.s32 @!p0 s0, s4  }
0xb1: {  	[tilespmem:s29], [sflag:$0x3] =	stream.strided.gather @!p0 [hbm4b:s4+s1], $0x2000, s28, s1, $0x38;
	[tilespmem:$0x18200] =	vst v63  }
0xb2: {  	_ =	swait.ge [sflag:s22], $0x2000  }
0xb3: {  	[sflag:s22] =	ssyncset.done $0x0  }
0xb4: {  	[sflag:s22] =	ssyncadd.s32 $0xFFFFE000  }
0xb5: {  	v29 =	vld.idx.msk [tilespmem:v15+s3+$0x0], $0xffff;
	_ =	sdelay $0x4  }
0xb6: {  	v16 =	vand.u32 $0x7F, v29  }
0xb7: {  	v30 =	vor.u32 v7, v16;
	_ =	sdelay $0x1  }
0xb8: {  	v31 =	vshll.u32 v15, $0x3  }
0xb9: {  	v18 =	vand.u32 $0xC00, v31;
	v15 =	vand.u32 $0x7B, v15  }
0xba: {  	v15 =	vor.u32 v15, v18  }
0xbb: {  	v18 =	vor.u32 v8, v15;
	v17 =	vld.idx.msk [tilespmem:v30+s13+$0x0], $0xffff  }
0xbc: {  	v32 =	vor.u32 v9, v16;
	_ =	sdelay $0x3  }
0xbd: {  	[tilespmem:v18+s19+$0x0] =	vst.idx.msk $0xffff, v17  }
0xbe: {  	v33 =	vor.u32 v10, v15;
	v17 =	vld.idx.msk [tilespmem:v32+s13+$0x0], $0xffff  }
0xbf: {  	v34 =	vor.u32 v11, v16;
	_ =	sdelay $0x3  }
0xc0: {  	[tilespmem:v33+s19+$0x0] =	vst.idx.msk $0xffff, v17  }
0xc1: {  	v35 =	vor.u32 v12, v15;
	v17 =	vld.idx.msk [tilespmem:v34+s13+$0x0], $0xffff  }
0xc2: {  	v16 =	vor.u32 v13, v16;
	_ =	sdelay $0x1  }
0xc3: {  	s4 =	sadd.s32 @!p0 $0xB, s31  }
0xc4: {  	v19 =	vmov @!p0 s4  }
0xc5: {  	[tilespmem:v35+s19+$0x0] =	vst.idx.msk $0xffff, v17;
	v17 =	vand.u32 @!p0 $0xFFFFFFFB, v19  }
0xc6: {  	v15 =	vor.u32 v14, v15;
	v16 =	vld.idx.msk [tilespmem:v16+s13+$0x0], $0xffff;
	v17 =	vbroadcast @!p0 v17, $0x0;
	_ =	sdelay $0x4  }
0xc7: {  	[tilespmem:v15+s19+$0x0] =	vst.idx.msk $0xffff, v16  }
0xc8: {  	v15 =	vld.idx.msk @!p0 [tilespmem:v17+s2+$0x0], $0xffff;
	_ =	sdelay $0x4  }
0xc9: {  	(v2sf) =	vpush @!p0 v15, $0x0;
	_ =	sdelay $0xe  }
0xca: {  	s4 =	spop @!p0 (v2sf)  }
0xcb: {  	s29 =	sadd.s32 $0x4, s31;
	s4 =	sand.u32 @!p0 $0xFFFFF80, s4  }
0xcc: {  	v15 =	vmov s29;
	s29 =	simm.s32 @!p0 $0x6200;
	s4 =	sadd.s32 @!p0 s0, s4  }
0xcd: {  	[tilespmem:s29], [sflag:$0x4] =	stream.strided.gather @!p0 [hbm4b:s4+s1], $0x2000, s28, s1, $0x38;
	[tilespmem:$0x18200] =	vst v63  }
0xce: {  	_ =	swait.ge [sflag:s23], $0x2000  }
0xcf: {  	[sflag:s23] =	ssyncset.done $0x0  }
0xd0: {  	[sflag:s23] =	ssyncadd.s32 $0xFFFFE000  }
0xd1: {  	v36 =	vld.idx.msk [tilespmem:v15+s3+$0x0], $0xffff;
	_ =	sdelay $0x4  }
0xd2: {  	v16 =	vand.u32 $0x7F, v36  }
0xd3: {  	v37 =	vor.u32 v7, v16;
	_ =	sdelay $0x1  }
0xd4: {  	v38 =	vshll.u32 v15, $0x3  }
0xd5: {  	v18 =	vand.u32 $0xC00, v38;
	v15 =	vand.u32 $0x7C, v15  }
0xd6: {  	v15 =	vor.u32 v15, v18  }
0xd7: {  	v18 =	vor.u32 v8, v15;
	v17 =	vld.idx.msk [tilespmem:v37+s14+$0x0], $0xffff  }
0xd8: {  	v39 =	vor.u32 v9, v16;
	_ =	sdelay $0x3  }
0xd9: {  	[tilespmem:v18+s19+$0x0] =	vst.idx.msk $0xffff, v17  }
0xda: {  	v40 =	vor.u32 v10, v15;
	v17 =	vld.idx.msk [tilespmem:v39+s14+$0x0], $0xffff  }
0xdb: {  	v41 =	vor.u32 v11, v16;
	_ =	sdelay $0x3  }
0xdc: {  	[tilespmem:v40+s19+$0x0] =	vst.idx.msk $0xffff, v17  }
0xdd: {  	v42 =	vor.u32 v12, v15;
	v17 =	vld.idx.msk [tilespmem:v41+s14+$0x0], $0xffff  }
0xde: {  	v16 =	vor.u32 v13, v16;
	_ =	sdelay $0x1  }
0xdf: {  	s4 =	sadd.s32 @!p0 $0xC, s31  }
0xe0: {  	v19 =	vmov @!p0 s4  }
0xe1: {  	[tilespmem:v42+s19+$0x0] =	vst.idx.msk $0xffff, v17;
	v17 =	vand.u32 @!p0 $0xFFFFFFFC, v19  }
0xe2: {  	v15 =	vor.u32 v14, v15;
	v16 =	vld.idx.msk [tilespmem:v16+s14+$0x0], $0xffff;
	v17 =	vbroadcast @!p0 v17, $0x0;
	_ =	sdelay $0x4  }
0xe3: {  	[tilespmem:v15+s19+$0x0] =	vst.idx.msk $0xffff, v16  }
0xe4: {  	v15 =	vld.idx.msk @!p0 [tilespmem:v17+s2+$0x0], $0xffff;
	_ =	sdelay $0x4  }
0xe5: {  	(v2sf) =	vpush @!p0 v15, $0x0;
	_ =	sdelay $0xe  }
0xe6: {  	s4 =	spop @!p0 (v2sf)  }
0xe7: {  	s29 =	sadd.s32 $0x5, s31;
	s4 =	sand.u32 @!p0 $0xFFFFF80, s4  }
0xe8: {  	v15 =	vmov s29;
	s29 =	simm.s32 @!p0 $0x8200;
	s4 =	sadd.s32 @!p0 s0, s4  }
0xe9: {  	[tilespmem:s29], [sflag:$0x5] =	stream.strided.gather @!p0 [hbm4b:s4+s1], $0x2000, s28, s1, $0x38;
	[tilespmem:$0x18200] =	vst v63  }
0xea: {  	_ =	swait.ge [sflag:s24], $0x2000  }
0xeb: {  	[sflag:s24] =	ssyncset.done $0x0  }
0xec: {  	[sflag:s24] =	ssyncadd.s32 $0xFFFFE000  }
0xed: {  	v43 =	vld.idx.msk [tilespmem:v15+s3+$0x0], $0xffff;
	_ =	sdelay $0x4  }
0xee: {  	v16 =	vand.u32 $0x7F, v43  }
0xef: {  	v44 =	vor.u32 v7, v16;
	_ =	sdelay $0x1  }
0xf0: {  	v45 =	vshll.u32 v15, $0x3  }
0xf1: {  	v18 =	vand.u32 $0xC00, v45;
	v15 =	vand.u32 $0x7D, v15  }
0xf2: {  	v15 =	vor.u32 v15, v18  }
0xf3: {  	v18 =	vor.u32 v8, v15;
	v17 =	vld.idx.msk [tilespmem:v44+s15+$0x0], $0xffff  }
0xf4: {  	v46 =	vor.u32 v9, v16;
	_ =	sdelay $0x3  }
0xf5: {  	[tilespmem:v18+s19+$0x0] =	vst.idx.msk $0xffff, v17  }
0xf6: {  	v47 =	vor.u32 v10, v15;
	v17 =	vld.idx.msk [tilespmem:v46+s15+$0x0], $0xffff  }
0xf7: {  	v48 =	vor.u32 v11, v16;
	_ =	sdelay $0x3  }
0xf8: {  	[tilespmem:v47+s19+$0x0] =	vst.idx.msk $0xffff, v17  }
0xf9: {  	v49 =	vor.u32 v12, v15;
	v17 =	vld.idx.msk [tilespmem:v48+s15+$0x0], $0xffff  }
0xfa: {  	v16 =	vor.u32 v13, v16;
	_ =	sdelay $0x1  }
0xfb: {  	s4 =	sadd.s32 @!p0 $0xD, s31  }
0xfc: {  	v19 =	vmov @!p0 s4  }
0xfd: {  	[tilespmem:v49+s19+$0x0] =	vst.idx.msk $0xffff, v17;
	v17 =	vand.u32 @!p0 $0xFFFFFFFD, v19  }
0xfe: {  	v15 =	vor.u32 v14, v15;
	v16 =	vld.idx.msk [tilespmem:v16+s15+$0x0], $0xffff;
	v17 =	vbroadcast @!p0 v17, $0x0;
	_ =	sdelay $0x4  }
0xff: {  	[tilespmem:v15+s19+$0x0] =	vst.idx.msk $0xffff, v16  }
0x100: {  	v15 =	vld.idx.msk @!p0 [tilespmem:v17+s2+$0x0], $0xffff;
	_ =	sdelay $0x4  }
0x101: {  	(v2sf) =	vpush @!p0 v15, $0x0;
	_ =	sdelay $0xe  }
0x102: {  	s4 =	spop @!p0 (v2sf)  }
0x103: {  	s29 =	sadd.s32 $0x6, s31;
	s4 =	sand.u32 @!p0 $0xFFFFF80, s4  }
0x104: {  	v15 =	vmov s29;
	s29 =	simm.s32 @!p0 $0xA200;
	s4 =	sadd.s32 @!p0 s0, s4  }
0x105: {  	[tilespmem:s29], [sflag:$0x6] =	stream.strided.gather @!p0 [hbm4b:s4+s1], $0x2000, s28, s1, $0x38;
	[tilespmem:$0x18200] =	vst v63  }
0x106: {  	_ =	swait.ge [sflag:s25], $0x2000  }
0x107: {  	[sflag:s25] =	ssyncset.done $0x0  }
0x108: {  	[sflag:s25] =	ssyncadd.s32 $0xFFFFE000  }
0x109: {  	v50 =	vld.idx.msk [tilespmem:v15+s3+$0x0], $0xffff;
	_ =	sdelay $0x4  }
0x10a: {  	v16 =	vand.u32 $0x7F, v50  }
0x10b: {  	v51 =	vor.u32 v7, v16;
	_ =	sdelay $0x1  }
0x10c: {  	v52 =	vshll.u32 v15, $0x3  }
0x10d: {  	v18 =	vand.u32 $0xC00, v52;
	v15 =	vand.u32 $0x7E, v15  }
0x10e: {  	v15 =	vor.u32 v15, v18  }
0x10f: {  	v18 =	vor.u32 v8, v15;
	v17 =	vld.idx.msk [tilespmem:v51+s16+$0x0], $0xffff  }
0x110: {  	v53 =	vor.u32 v9, v16;
	_ =	sdelay $0x3  }
0x111: {  	[tilespmem:v18+s19+$0x0] =	vst.idx.msk $0xffff, v17  }
0x112: {  	v54 =	vor.u32 v10, v15;
	v17 =	vld.idx.msk [tilespmem:v53+s16+$0x0], $0xffff  }
0x113: {  	v55 =	vor.u32 v11, v16;
	_ =	sdelay $0x3  }
0x114: {  	[tilespmem:v54+s19+$0x0] =	vst.idx.msk $0xffff, v17  }
0x115: {  	v56 =	vor.u32 v12, v15;
	v17 =	vld.idx.msk [tilespmem:v55+s16+$0x0], $0xffff  }
0x116: {  	v16 =	vor.u32 v13, v16;
	_ =	sdelay $0x1  }
0x117: {  	s4 =	sadd.s32 @!p0 $0xE, s31  }
0x118: {  	v19 =	vmov @!p0 s4  }
0x119: {  	[tilespmem:v56+s19+$0x0] =	vst.idx.msk $0xffff, v17;
	v17 =	vand.u32 @!p0 $0xFFFFFFFE, v19  }
0x11a: {  	v15 =	vor.u32 v14, v15;
	v16 =	vld.idx.msk [tilespmem:v16+s16+$0x0], $0xffff;
	v17 =	vbroadcast @!p0 v17, $0x0;
	_ =	sdelay $0x4  }
0x11b: {  	[tilespmem:v15+s19+$0x0] =	vst.idx.msk $0xffff, v16  }
0x11c: {  	v15 =	vld.idx.msk @!p0 [tilespmem:v17+s2+$0x0], $0xffff;
	_ =	sdelay $0x4  }
0x11d: {  	(v2sf) =	vpush @!p0 v15, $0x0;
	_ =	sdelay $0xe  }
0x11e: {  	s2 =	spop @!p0 (v2sf)  }
0x11f: {  	s4 =	sadd.s32 $0x7, s31;
	s2 =	sand.u32 @!p0 $0xFFFFF80, s2  }
0x120: {  	s29 =	simm.s32 @!p0 $0xC200;
	v15 =	vmov s4;
	s2 =	sadd.s32 @!p0 s0, s2  }
0x121: {  	[tilespmem:s29], [sflag:$0x7] =	stream.strided.gather @!p0 [hbm4b:s2+s1], $0x2000, s28, s1, $0x38;
	[tilespmem:$0x18200] =	vst v63  }
0x122: {  	_ =	swait.ge [sflag:s26], $0x2000  }
0x123: {  	[sflag:s26] =	ssyncset.done $0x0  }
0x124: {  	[sflag:s26] =	ssyncadd.s32 $0xFFFFE000  }
0x125: {  	v57 =	vld.idx.msk [tilespmem:v15+s3+$0x0], $0xffff;
	_ =	sdelay $0x4  }
0x126: {  	v16 =	vand.u32 $0x7F, v57  }
0x127: {  	v58 =	vor.u32 v7, v16;
	_ =	sdelay $0x1  }
0x128: {  	v59 =	vshll.u32 v15, $0x3  }
0x129: {  	v18 =	vand.u32 $0xC00, v59;
	v15 =	vand.u32 $0x7F, v15  }
0x12a: {  	v15 =	vor.u32 v15, v18  }
0x12b: {  	v18 =	vor.u32 v8, v15;
	v17 =	vld.idx.msk [tilespmem:v58+s17+$0x0], $0xffff  }
0x12c: {  	v60 =	vor.u32 v9, v16;
	_ =	sdelay $0x3  }
0x12d: {  	[tilespmem:v18+s19+$0x0] =	vst.idx.msk $0xffff, v17  }
0x12e: {  	v61 =	vor.u32 v10, v15;
	v17 =	vld.idx.msk [tilespmem:v60+s17+$0x0], $0xffff  }
0x12f: {  	v62 =	vor.u32 v11, v16;
	_ =	sdelay $0x3  }
0x130: {  	[tilespmem:v61+s19+$0x0] =	vst.idx.msk $0xffff, v17  }
0x131: {  	v63 =	vor.u32 v12, v15;
	v17 =	vld.idx.msk [tilespmem:v62+s17+$0x0], $0xffff  }
0x132: {  	v16 =	vor.u32 v13, v16;
	_ =	sdelay $0x3  }
0x133: {  	[tilespmem:v63+s19+$0x0] =	vst.idx.msk $0xffff, v17  }
0x134: {  	v15 =	vor.u32 v14, v15;
	v16 =	vld.idx.msk [tilespmem:v16+s17+$0x0], $0xffff  }
.Ltmp2:
0x135: {  	_ = 	snop;
	(pc) =	sbr.rel @p0 .LBB2_4-.Ltmp2, $2  }
0x136: {  	_ =	sdelay $0x2  }
0x137: {  	[tilespmem:v15+s19+$0x0] =	vst.idx.msk $0xffff, v16  }
0x138: {  	s1 =	sadd.s32 $0xF, s31  }
0x139: {  	v15 =	vmov s1;
	_ =	sdelay $0x4  }
0x13a: {  	v15 =	vld.idx.msk [tilespmem:v15+s3+$0x0], $0xffff;
	_ =	sdelay $0x4  }
0x13b: {  	(v2sf) =	vpush v15, $0x0;
	_ =	sdelay $0xd  }
.Ltmp3:
0x13c: {  	_ = 	snop;
	(pc) =	sbr.rel .LBB2_2-.Ltmp3, $4  }
0x13d: {  	s29 =	spop (v2sf)  }
0x13e: {  	s1 =	sand.u32 $0xFFFFF80, s29  }
0x13f: {  	s31 =	sadd.s32 $0x8, s31;
	s1 =	sadd.s32 s0, s1  }
0x140: {  	[tilespmem:s17], [sflag:$0x8] =	stream.strided.gather [hbm4b:s1+s9], $0x2000, s8, s9, $0x38;
	[tilespmem:$0x18200] =	vst v63  }
.LBB2_5:
0x141: {  	_ =	sfence.sel $0x180000  }
0x142: {  	[bflag:$0x0] =	sbarrier.arrive $0xFFFF  }
0x143: {  	_ =	strace $0x90000047  }
0x144: {  	s0 =	stileid.u32;
	[bflag:$0x2] =	sbarrier.arrive $0xFFFF  }
0x145: {  	p0 =	sne.s32 s0, $0x0;
	s0 =	rddreg [dreg:$0x3]  }
0x146: {  	s0 =	sadd.s32 @!p0 $0x100000, s0  }
0x147: {  	[sflag:s0] =	ssyncadd.tile.s32 @!p0 $0x1;
	_ =	shalt  }
.Lfunc_end2:
_tile_overlayer_lowered:
.L_overlay_start_2:
0x148: {  	(tag) =	ssettag $0x2  }
0x149: {  	s0 =	rddreg [dreg:$0x0];
	s2 =	stileid.u32  }
0x14a: {  	s1 =	rddreg [dreg:$0x1];
	p0 =	sne.s32 s2, $0x0  }
0x14b: {  	s3 =	rddreg [dreg:$0x2];
	[bflag:$0x3] =	sbarrier.arrive $0xFFFF;
	s2 =	simm.s32 @!p0 $0x1C09  }
0x14c: {  	[timem:s3], [sflag:s2] =	dma.local @!p0 [hbm:s0], s1  }
0x14d: {  	s0 =	simm.s32 @!p0 $0x9  }
0x14e: {  	_ =	swait.ge @!p0 [sflag:s0], s1  }
0x14f: {  	s1 =	ssub.s32 @!p0 $0x0, s1;
	[sflag:s0] =	ssyncset.done @!p0 $0x0  }
0x150: {  	[sflag:s0] =	ssyncadd.s32 @!p0 s1  }
0x151: {  	[bflag:$0x3] =	sbarrier.arrive $0xFFFF  }
0x152: {  	_ =	shalt  }

</sc_bundles>
